<compile_context>
chip_gen: v7x
topology: tpu7x:2x2x1
jax: 0.10.2.dev20260603
libtpu: 0.0.44.dev20260713+nightly
codegen_flags: <defaults>
</compile_context>

<pallas_src>
import functools

import jax
import jax.numpy as jnp
from jax import lax
from jax.experimental import pallas as pl
from jax.experimental.pallas import tpu as pltpu
from jax.experimental.pallas import tpu_sc as plsc

L_Q = 2048
L_V = 2048
N_EMB = 129
D = 64
MAXP = (N_EMB - 1) // 2
FILL_LO = L_V - 1 - MAXP
B_ROWS = 4096
NPH = 8
PH_ROWS = 4088

NC = 2
NS = 16
CHUNK = B_ROWS // NS

RPS = 16
TC_STEPS = L_Q // RPS


def _sc_phase_body(emb_hbm, b8_hbm, table_v, stage_v, b_sh):
    c = lax.axis_index("c")
    s = lax.axis_index("s")

    pltpu.sync_copy(emb_hbm, table_v)

    base = s * CHUNK

    def build_row(r, _):
        t = jnp.clip(base + r - FILL_LO, 0, N_EMB - 1)
        for col in range(D // 16):
            sl = pl.ds(col * 16, 16)
            stage_v[r, sl] = table_v[t, sl]
        return _

    lax.fori_loop(0, CHUNK, build_row, 0)
    pltpu.sync_copy(stage_v, b_sh.at[pl.ds(base, CHUNK)])
    plsc.subcore_barrier()

    for p in range(NPH):
        own = jnp.logical_and(c == p // 4, s == p % 4)

        @pl.when(own)
        def _(p=p):
            pltpu.sync_copy(b_sh.at[pl.ds(p, PH_ROWS)], b8_hbm.at[p])
            lo = 2048 - p
            ta = (lo // 8) * 8
            pltpu.sync_copy(
                table_v.at[pl.ds(ta + p - FILL_LO, 16)],
                b8_hbm.at[p, pl.ds(ta, 16)],
            )


def _tc_fanout_body(b8_ref, out_ref):
    q = pl.program_id(0)
    for rr in range(RPS):
        i = q * RPS + rr
        p = (L_V - 1 - rr) % NPH
        s8 = L_V - 1 - i - p
        out_ref[rr] = b8_ref[p, pl.ds(s8, L_V), :]


def kernel(query, value, embeddings):
    del query, value
    mesh = plsc.VectorSubcoreMesh(core_axis_name="c", subcore_axis_name="s")
    sc_phase = functools.partial(
        pl.kernel,
        mesh=mesh,
        out_type=jax.ShapeDtypeStruct((NPH, PH_ROWS, D), jnp.float32),
        scratch_types=[
            pltpu.VMEM((N_EMB, D), jnp.float32),
            pltpu.VMEM((CHUNK, D), jnp.float32),
            pltpu.VMEM_SHARED((B_ROWS, D), jnp.float32),
        ],
    )(_sc_phase_body)
    b8 = sc_phase(embeddings)

    fanout = pl.pallas_call(
        _tc_fanout_body,
        grid=(TC_STEPS,),
        in_specs=[pl.BlockSpec(memory_space=pltpu.VMEM)],
        out_specs=pl.BlockSpec((RPS, L_V, D), lambda q: (q, 0, 0)),
        out_shape=jax.ShapeDtypeStruct((L_Q, L_V, D), jnp.float32),
    )
    return fanout(b8)

# --- scband reference (transcript-rebuilt; emitter-appended) ---
"""Pipeline reference for scband-relative-position-embedding-25245817766310 (READ-ONLY COPY).

The authoritative reference and input builder live on the scoring server;
editing this copy changes nothing except your own understanding.
"""

import jax, jax.numpy as jnp
import numpy as np

INPUT_DIM = 129
OUTPUT_DIM = 64

def setup_inputs(seed: int = 0) -> dict:
    key = jax.random.key(seed)
    k1, k2, k3 = jax.random.split(key, 3)
    query = jax.random.normal(k1, (1, 2048, 1024), dtype=jnp.float32)
    value = jax.random.normal(k2, (1, 2048, 1024), dtype=jnp.float32)
    # learned relative-position embedding table (initializer is 'zeros' in the
    # original; use small random values so the gather is non-trivial)
    embeddings = jax.random.normal(k3, (INPUT_DIM, OUTPUT_DIM), dtype=jnp.float32) * 0.02
    return {"query": query, "value": value, "embeddings": embeddings}

def reference(query, value, embeddings):
    # Faithful translation of RelativePositionEmbedding.call
    Lq = query.shape[1]
    Lv = value.shape[1]
    query_idx = jnp.arange(Lq, dtype=jnp.int32)[:, None]   # [Lq, 1]
    value_idx = jnp.arange(Lv, dtype=jnp.int32)[None, :]   # [1, Lv]
    pos_ids = value_idx - query_idx                        # [Lq, Lv]
    max_position = (embeddings.shape[0] - 1) // 2
    pos_ids = jnp.clip(pos_ids, -max_position, max_position)
    pos_ids = pos_ids + max_position
    return jnp.take(embeddings, pos_ids, axis=0)           # [Lq, Lv, output_dim]

if __name__ == "__main__":
    import jax
    _d = setup_inputs()
    print(jax.jit(kernel)(*tuple(_d.values())))

</pallas_src>

<mosaic_0001>
#map = affine_map<(d0, d1) -> (0, 0)>
#map1 = affine_map<(d0, d1) -> (0, 0, 0)>
module attributes {stable_mosaic.version = 14 : i64} {
  func.func @_sc_phase_body(%arg0: i32, %arg1: i32, %arg2: memref<129x64xf32, #tpu.memory_space<hbm>>, %arg3: memref<8x4088x64xf32, #tpu.memory_space<hbm>>, %arg4: memref<129x64xf32, #tpu.memory_space<vmem>>, %arg5: memref<256x64xf32, #tpu.memory_space<vmem>>, %arg6: memref<4096x64xf32, #tpu.memory_space<vmem_shared>>) attributes {dimension_semantics = [#tpu.dimension_semantics<core_parallel>, #tpu.dimension_semantics<subcore_parallel>], iteration_bounds = array<i64: 2, 16>, scalar_prefetch = 0 : i64, scratch_operands = 3 : i64, tpu.core_type = #tpu.core_type<sc_vector_subcore>, window_params = [{transform_indices = #map}, {transform_indices = #map1}]} {
    "tpu.region"() ({
      %run_scoped3A = tpu.sem_alloc : memref<!tpu.dma_semaphore, #tpu.memory_space<semaphore_mem>>
      tpu.enqueue_dma source(%arg2 : memref<129x64xf32, #tpu.memory_space<hbm>>) target(%arg4 : memref<129x64xf32, #tpu.memory_space<vmem>>) target_semaphore(%run_scoped3A : memref<!tpu.dma_semaphore, #tpu.memory_space<semaphore_mem>>)
      tpu.wait_dma2 semaphore(%run_scoped3A : memref<!tpu.dma_semaphore, #tpu.memory_space<semaphore_mem>>) src(%arg2 : memref<129x64xf32, #tpu.memory_space<hbm>>) dst(%arg4 : memref<129x64xf32, #tpu.memory_space<vmem>>)
      tpu.yield
    }) : () -> ()
    %mul3A = arith.constant 256 : i32
    %mul3A_0 = arith.muli %arg1, %mul3A : i32
    %scan3A = arith.constant 0 : i32
    %scan3A_1 = arith.constant 0 : i32
    %scan3A_2 = arith.constant 256 : i32
    %scan3A_3 = arith.addi %scan3A_1, %scan3A_2 : i32
    %scan3A_4 = arith.constant 1 : i32
    scf.for %scan3A_66 = %scan3A_1 to %scan3A_3 step %scan3A_4  : i32 {
      %add3A = arith.addi %mul3A_0, %scan3A_66 : i32
      %sub3A = arith.constant 1983 : i32
      %sub3A_67 = arith.subi %add3A, %sub3A : i32
      %jit3A = arith.constant 0 : i32
      %jit3A_68 = arith.constant 128 : i32
      %max3A = arith.maxsi %jit3A, %sub3A_67 : i32
      %min3A = arith.minsi %jit3A_68, %max3A : i32
      %get3A = arith.index_cast %min3A : i32 to index
      %get3A_69 = arith.constant 0 : index
      %get3A_70 = tpu.vector_load %arg4[%get3A, %get3A_69] {strides = array<i32>} : memref<129x64xf32, #tpu.memory_space<vmem>>, vector<1x16xf32>,
      %get3A_71 = vector.shape_cast %get3A_70 : vector<1x16xf32> to vector<16xf32>
      %swap3A = arith.index_cast %scan3A_66 : i32 to index
      %swap3A_72 = arith.constant 0 : index
      %swap3A_73 = tpu.vector_load %arg5[%swap3A, %swap3A_72] {strides = array<i32>} : memref<256x64xf32, #tpu.memory_space<vmem>>, vector<1x16xf32>,
      %swap3A_74 = vector.shape_cast %swap3A_73 : vector<1x16xf32> to vector<16xf32>
      %swap3A_75 = vector.shape_cast %get3A_71 : vector<16xf32> to vector<1x16xf32>
      tpu.vector_store %arg5[%swap3A, %swap3A_72], %swap3A_75 {strides = array<i32>} : memref<256x64xf32, #tpu.memory_space<vmem>>, vector<1x16xf32>,
      %get3A_76 = arith.index_cast %min3A : i32 to index
      %get3A_77 = arith.constant 16 : index
      %get3A_78 = tpu.vector_load %arg4[%get3A_76, %get3A_77] {strides = array<i32>} : memref<129x64xf32, #tpu.memory_space<vmem>>, vector<1x16xf32>,
      %get3A_79 = vector.shape_cast %get3A_78 : vector<1x16xf32> to vector<16xf32>
      %swap3A_80 = arith.index_cast %scan3A_66 : i32 to index
      %swap3A_81 = arith.constant 16 : index
      %swap3A_82 = tpu.vector_load %arg5[%swap3A_80, %swap3A_81] {strides = array<i32>} : memref<256x64xf32, #tpu.memory_space<vmem>>, vector<1x16xf32>,
      %swap3A_83 = vector.shape_cast %swap3A_82 : vector<1x16xf32> to vector<16xf32>
      %swap3A_84 = vector.shape_cast %get3A_79 : vector<16xf32> to vector<1x16xf32>
      tpu.vector_store %arg5[%swap3A_80, %swap3A_81], %swap3A_84 {strides = array<i32>} : memref<256x64xf32, #tpu.memory_space<vmem>>, vector<1x16xf32>,
      %get3A_85 = arith.index_cast %min3A : i32 to index
      %get3A_86 = arith.constant 32 : index
      %get3A_87 = tpu.vector_load %arg4[%get3A_85, %get3A_86] {strides = array<i32>} : memref<129x64xf32, #tpu.memory_space<vmem>>, vector<1x16xf32>,
      %get3A_88 = vector.shape_cast %get3A_87 : vector<1x16xf32> to vector<16xf32>
      %swap3A_89 = arith.index_cast %scan3A_66 : i32 to index
      %swap3A_90 = arith.constant 32 : index
      %swap3A_91 = tpu.vector_load %arg5[%swap3A_89, %swap3A_90] {strides = array<i32>} : memref<256x64xf32, #tpu.memory_space<vmem>>, vector<1x16xf32>,
      %swap3A_92 = vector.shape_cast %swap3A_91 : vector<1x16xf32> to vector<16xf32>
      %swap3A_93 = vector.shape_cast %get3A_88 : vector<16xf32> to vector<1x16xf32>
      tpu.vector_store %arg5[%swap3A_89, %swap3A_90], %swap3A_93 {strides = array<i32>} : memref<256x64xf32, #tpu.memory_space<vmem>>, vector<1x16xf32>,
      %get3A_94 = arith.index_cast %min3A : i32 to index
      %get3A_95 = arith.constant 48 : index
      %get3A_96 = tpu.vector_load %arg4[%get3A_94, %get3A_95] {strides = array<i32>} : memref<129x64xf32, #tpu.memory_space<vmem>>, vector<1x16xf32>,
      %get3A_97 = vector.shape_cast %get3A_96 : vector<1x16xf32> to vector<16xf32>
      %swap3A_98 = arith.index_cast %scan3A_66 : i32 to index
      %swap3A_99 = arith.constant 48 : index
      %swap3A_100 = tpu.vector_load %arg5[%swap3A_98, %swap3A_99] {strides = array<i32>} : memref<256x64xf32, #tpu.memory_space<vmem>>, vector<1x16xf32>,
      %swap3A_101 = vector.shape_cast %swap3A_100 : vector<1x16xf32> to vector<16xf32>
      %swap3A_102 = vector.shape_cast %get3A_97 : vector<16xf32> to vector<1x16xf32>
      tpu.vector_store %arg5[%swap3A_98, %swap3A_99], %swap3A_102 {strides = array<i32>} : memref<256x64xf32, #tpu.memory_space<vmem>>, vector<1x16xf32>,
    }
    %scan3A_5 = arith.constant 256 : i32
    "tpu.region"() ({
      %run_scoped3A = tpu.sem_alloc : memref<!tpu.dma_semaphore, #tpu.memory_space<semaphore_mem>>
      %dma_start3A = arith.constant 0 : i32
      %dma_start3A_66 = tpu.memref_slice %arg6[%mul3A_0, %dma_start3A] : memref<4096x64xf32, #tpu.memory_space<vmem_shared>> -> memref<256x64xf32, #tpu.memory_space<vmem_shared>>
      %dma_start3A_67 = arith.constant 0 : i32
      %dma_start3A_68 = tpu.memref_slice %arg6[%mul3A_0, %dma_start3A_67] : memref<4096x64xf32, #tpu.memory_space<vmem_shared>> -> memref<256x64xf32, #tpu.memory_space<vmem_shared>>
      tpu.enqueue_dma source(%arg5 : memref<256x64xf32, #tpu.memory_space<vmem>>) target(%dma_start3A_68 : memref<256x64xf32, #tpu.memory_space<vmem_shared>>) target_semaphore(%run_scoped3A : memref<!tpu.dma_semaphore, #tpu.memory_space<semaphore_mem>>)
      %dma_wait3A = arith.constant 0 : i32
      %dma_wait3A_69 = tpu.memref_slice %arg6[%mul3A_0, %dma_wait3A] : memref<4096x64xf32, #tpu.memory_space<vmem_shared>> -> memref<256x64xf32, #tpu.memory_space<vmem_shared>>
      %dma_wait3A_70 = arith.constant 0 : i32
      %dma_wait3A_71 = tpu.memref_slice %arg6[%mul3A_0, %dma_wait3A_70] : memref<4096x64xf32, #tpu.memory_space<vmem_shared>> -> memref<256x64xf32, #tpu.memory_space<vmem_shared>>
      tpu.wait_dma2 semaphore(%run_scoped3A : memref<!tpu.dma_semaphore, #tpu.memory_space<semaphore_mem>>) src(%arg5 : memref<256x64xf32, #tpu.memory_space<vmem>>) dst(%dma_wait3A_71 : memref<256x64xf32, #tpu.memory_space<vmem_shared>>)
      tpu.yield
    }) : () -> ()
    %barrier3A = arith.constant 0 : index
    tpu.barrier barrier_id(%barrier3A)
    %eq3A = arith.constant 0 : i32
    %eq3A_6 = arith.cmpi eq, %arg0, %eq3A : i32
    %eq3A_7 = arith.constant 0 : i32
    %eq3A_8 = arith.cmpi eq, %arg1, %eq3A_7 : i32
    %and3A = arith.andi %eq3A_6, %eq3A_8 : i1
    %convert_element_type3A = arith.extui %and3A : i1 to i32
    %cond3A = arith.constant 0 : i32
    %cond3A_9 = arith.cmpi ne, %convert_element_type3A, %cond3A : i32
    scf.if %cond3A_9 {
      %run_scoped3A = arith.constant 0 : i32
      "tpu.region"() ({
        %run_scoped3A_67 = tpu.sem_alloc : memref<!tpu.dma_semaphore, #tpu.memory_space<semaphore_mem>>
        %dma_start3A = arith.constant 0 : i32
        %dma_start3A_68 = arith.constant 0 : i32
        %dma_start3A_69 = tpu.memref_slice %arg3[%run_scoped3A, %dma_start3A, %dma_start3A_68] : memref<8x4088x64xf32, #tpu.memory_space<hbm>> -> memref<1x4088x64xf32, #tpu.memory_space<hbm>>
        %dma_start3A_70 = tpu.memref_squeeze %dma_start3A_69 : memref<1x4088x64xf32, #tpu.memory_space<hbm>> -> memref<4088x64xf32, #tpu.memory_space<hbm>>
        %dma_start3A_71 = arith.constant 0 : i32
        %dma_start3A_72 = arith.constant 0 : i32
        %dma_start3A_73 = tpu.memref_slice %arg6[%dma_start3A_71, %dma_start3A_72] : memref<4096x64xf32, #tpu.memory_space<vmem_shared>> -> memref<4088x64xf32, #tpu.memory_space<vmem_shared>>
        tpu.enqueue_dma source(%dma_start3A_73 : memref<4088x64xf32, #tpu.memory_space<vmem_shared>>) target(%dma_start3A_70 : memref<4088x64xf32, #tpu.memory_space<hbm>>) target_semaphore(%run_scoped3A_67 : memref<!tpu.dma_semaphore, #tpu.memory_space<semaphore_mem>>)
        %dma_wait3A = arith.constant 0 : i32
        %dma_wait3A_74 = arith.constant 0 : i32
        %dma_wait3A_75 = tpu.memref_slice %arg3[%run_scoped3A, %dma_wait3A, %dma_wait3A_74] : memref<8x4088x64xf32, #tpu.memory_space<hbm>> -> memref<1x4088x64xf32, #tpu.memory_space<hbm>>
        %dma_wait3A_76 = tpu.memref_squeeze %dma_wait3A_75 : memref<1x4088x64xf32, #tpu.memory_space<hbm>> -> memref<4088x64xf32, #tpu.memory_space<hbm>>
        %dma_wait3A_77 = arith.constant 0 : i32
        %dma_wait3A_78 = arith.constant 0 : i32
        %dma_wait3A_79 = tpu.memref_slice %arg6[%dma_wait3A_77, %dma_wait3A_78] : memref<4096x64xf32, #tpu.memory_space<vmem_shared>> -> memref<4088x64xf32, #tpu.memory_space<vmem_shared>>
        tpu.wait_dma2 semaphore(%run_scoped3A_67 : memref<!tpu.dma_semaphore, #tpu.memory_space<semaphore_mem>>) src(%dma_wait3A_79 : memref<4088x64xf32, #tpu.memory_space<vmem_shared>>) dst(%dma_wait3A_76 : memref<4088x64xf32, #tpu.memory_space<hbm>>)
        tpu.yield
      }) : () -> ()
      %run_scoped3A_66 = arith.constant 0 : i32
      "tpu.region"() ({
        %run_scoped3A_67 = tpu.sem_alloc : memref<!tpu.dma_semaphore, #tpu.memory_space<semaphore_mem>>
        %dma_start3A = arith.constant 65 : i32
        %dma_start3A_68 = arith.constant 0 : i32
        %dma_start3A_69 = tpu.memref_slice %arg4[%dma_start3A, %dma_start3A_68] : memref<129x64xf32, #tpu.memory_space<vmem>> -> memref<16x64xf32, #tpu.memory_space<vmem>>
        %dma_start3A_70 = arith.constant 2048 : i32
        %dma_start3A_71 = arith.constant 0 : i32
        %dma_start3A_72 = tpu.memref_slice %arg3[%run_scoped3A_66, %dma_start3A_70, %dma_start3A_71] : memref<8x4088x64xf32, #tpu.memory_space<hbm>> -> memref<1x16x64xf32, #tpu.memory_space<hbm>>
        %dma_start3A_73 = tpu.memref_squeeze %dma_start3A_72 : memref<1x16x64xf32, #tpu.memory_space<hbm>> -> memref<16x64xf32, #tpu.memory_space<hbm>>
        %dma_start3A_74 = arith.constant 2048 : i32
        %dma_start3A_75 = arith.constant 0 : i32
        %dma_start3A_76 = tpu.memref_slice %arg3[%run_scoped3A_66, %dma_start3A_74, %dma_start3A_75] : memref<8x4088x64xf32, #tpu.memory_space<hbm>> -> memref<1x16x64xf32, #tpu.memory_space<hbm>>
        %dma_start3A_77 = tpu.memref_squeeze %dma_start3A_76 : memref<1x16x64xf32, #tpu.memory_space<hbm>> -> memref<16x64xf32, #tpu.memory_space<hbm>>
        %dma_start3A_78 = arith.constant 65 : i32
        %dma_start3A_79 = arith.constant 0 : i32
        %dma_start3A_80 = tpu.memref_slice %arg4[%dma_start3A_78, %dma_start3A_79] : memref<129x64xf32, #tpu.memory_space<vmem>> -> memref<16x64xf32, #tpu.memory_space<vmem>>
        tpu.enqueue_dma source(%dma_start3A_80 : memref<16x64xf32, #tpu.memory_space<vmem>>) target(%dma_start3A_77 : memref<16x64xf32, #tpu.memory_space<hbm>>) target_semaphore(%run_scoped3A_67 : memref<!tpu.dma_semaphore, #tpu.memory_space<semaphore_mem>>)
        %dma_wait3A = arith.constant 65 : i32
        %dma_wait3A_81 = arith.constant 0 : i32
        %dma_wait3A_82 = tpu.memref_slice %arg4[%dma_wait3A, %dma_wait3A_81] : memref<129x64xf32, #tpu.memory_space<vmem>> -> memref<16x64xf32, #tpu.memory_space<vmem>>
        %dma_wait3A_83 = arith.constant 2048 : i32
        %dma_wait3A_84 = arith.constant 0 : i32
        %dma_wait3A_85 = tpu.memref_slice %arg3[%run_scoped3A_66, %dma_wait3A_83, %dma_wait3A_84] : memref<8x4088x64xf32, #tpu.memory_space<hbm>> -> memref<1x16x64xf32, #tpu.memory_space<hbm>>
        %dma_wait3A_86 = tpu.memref_squeeze %dma_wait3A_85 : memref<1x16x64xf32, #tpu.memory_space<hbm>> -> memref<16x64xf32, #tpu.memory_space<hbm>>
        %dma_wait3A_87 = arith.constant 2048 : i32
        %dma_wait3A_88 = arith.constant 0 : i32
        %dma_wait3A_89 = tpu.memref_slice %arg3[%run_scoped3A_66, %dma_wait3A_87, %dma_wait3A_88] : memref<8x4088x64xf32, #tpu.memory_space<hbm>> -> memref<1x16x64xf32, #tpu.memory_space<hbm>>
        %dma_wait3A_90 = tpu.memref_squeeze %dma_wait3A_89 : memref<1x16x64xf32, #tpu.memory_space<hbm>> -> memref<16x64xf32, #tpu.memory_space<hbm>>
        %dma_wait3A_91 = arith.constant 65 : i32
        %dma_wait3A_92 = arith.constant 0 : i32
        %dma_wait3A_93 = tpu.memref_slice %arg4[%dma_wait3A_91, %dma_wait3A_92] : memref<129x64xf32, #tpu.memory_space<vmem>> -> memref<16x64xf32, #tpu.memory_space<vmem>>
        tpu.wait_dma2 semaphore(%run_scoped3A_67 : memref<!tpu.dma_semaphore, #tpu.memory_space<semaphore_mem>>) src(%dma_wait3A_93 : memref<16x64xf32, #tpu.memory_space<vmem>>) dst(%dma_wait3A_90 : memref<16x64xf32, #tpu.memory_space<hbm>>)
        tpu.yield
      }) : () -> ()
    } else {
    }
    %eq3A_10 = arith.constant 0 : i32
    %eq3A_11 = arith.cmpi eq, %arg0, %eq3A_10 : i32
    %eq3A_12 = arith.constant 1 : i32
    %eq3A_13 = arith.cmpi eq, %arg1, %eq3A_12 : i32
    %and3A_14 = arith.andi %eq3A_11, %eq3A_13 : i1
    %convert_element_type3A_15 = arith.extui %and3A_14 : i1 to i32
    %cond3A_16 = arith.constant 0 : i32
    %cond3A_17 = arith.cmpi ne, %convert_element_type3A_15, %cond3A_16 : i32
    scf.if %cond3A_17 {
      %run_scoped3A = arith.constant 1 : i32
      "tpu.region"() ({
        %run_scoped3A_67 = tpu.sem_alloc : memref<!tpu.dma_semaphore, #tpu.memory_space<semaphore_mem>>
        %dma_start3A = arith.constant 0 : i32
        %dma_start3A_68 = arith.constant 0 : i32
        %dma_start3A_69 = tpu.memref_slice %arg3[%run_scoped3A, %dma_start3A, %dma_start3A_68] : memref<8x4088x64xf32, #tpu.memory_space<hbm>> -> memref<1x4088x64xf32, #tpu.memory_space<hbm>>
        %dma_start3A_70 = tpu.memref_squeeze %dma_start3A_69 : memref<1x4088x64xf32, #tpu.memory_space<hbm>> -> memref<4088x64xf32, #tpu.memory_space<hbm>>
        %dma_start3A_71 = arith.constant 1 : i32
        %dma_start3A_72 = arith.constant 0 : i32
        %dma_start3A_73 = tpu.memref_slice %arg6[%dma_start3A_71, %dma_start3A_72] : memref<4096x64xf32, #tpu.memory_space<vmem_shared>> -> memref<4088x64xf32, #tpu.memory_space<vmem_shared>>
        tpu.enqueue_dma source(%dma_start3A_73 : memref<4088x64xf32, #tpu.memory_space<vmem_shared>>) target(%dma_start3A_70 : memref<4088x64xf32, #tpu.memory_space<hbm>>) target_semaphore(%run_scoped3A_67 : memref<!tpu.dma_semaphore, #tpu.memory_space<semaphore_mem>>)
        %dma_wait3A = arith.constant 0 : i32
        %dma_wait3A_74 = arith.constant 0 : i32
        %dma_wait3A_75 = tpu.memref_slice %arg3[%run_scoped3A, %dma_wait3A, %dma_wait3A_74] : memref<8x4088x64xf32, #tpu.memory_space<hbm>> -> memref<1x4088x64xf32, #tpu.memory_space<hbm>>
        %dma_wait3A_76 = tpu.memref_squeeze %dma_wait3A_75 : memref<1x4088x64xf32, #tpu.memory_space<hbm>> -> memref<4088x64xf32, #tpu.memory_space<hbm>>
        %dma_wait3A_77 = arith.constant 1 : i32
        %dma_wait3A_78 = arith.constant 0 : i32
        %dma_wait3A_79 = tpu.memref_slice %arg6[%dma_wait3A_77, %dma_wait3A_78] : memref<4096x64xf32, #tpu.memory_space<vmem_shared>> -> memref<4088x64xf32, #tpu.memory_space<vmem_shared>>
        tpu.wait_dma2 semaphore(%run_scoped3A_67 : memref<!tpu.dma_semaphore, #tpu.memory_space<semaphore_mem>>) src(%dma_wait3A_79 : memref<4088x64xf32, #tpu.memory_space<vmem_shared>>) dst(%dma_wait3A_76 : memref<4088x64xf32, #tpu.memory_space<hbm>>)
        tpu.yield
      }) : () -> ()
      %run_scoped3A_66 = arith.constant 1 : i32
      "tpu.region"() ({
        %run_scoped3A_67 = tpu.sem_alloc : memref<!tpu.dma_semaphore, #tpu.memory_space<semaphore_mem>>
        %dma_start3A = arith.constant 58 : i32
        %dma_start3A_68 = arith.constant 0 : i32
        %dma_start3A_69 = tpu.memref_slice %arg4[%dma_start3A, %dma_start3A_68] : memref<129x64xf32, #tpu.memory_space<vmem>> -> memref<16x64xf32, #tpu.memory_space<vmem>>
        %dma_start3A_70 = arith.constant 2040 : i32
        %dma_start3A_71 = arith.constant 0 : i32
        %dma_start3A_72 = tpu.memref_slice %arg3[%run_scoped3A_66, %dma_start3A_70, %dma_start3A_71] : memref<8x4088x64xf32, #tpu.memory_space<hbm>> -> memref<1x16x64xf32, #tpu.memory_space<hbm>>
        %dma_start3A_73 = tpu.memref_squeeze %dma_start3A_72 : memref<1x16x64xf32, #tpu.memory_space<hbm>> -> memref<16x64xf32, #tpu.memory_space<hbm>>
        %dma_start3A_74 = arith.constant 2040 : i32
        %dma_start3A_75 = arith.constant 0 : i32
        %dma_start3A_76 = tpu.memref_slice %arg3[%run_scoped3A_66, %dma_start3A_74, %dma_start3A_75] : memref<8x4088x64xf32, #tpu.memory_space<hbm>> -> memref<1x16x64xf32, #tpu.memory_space<hbm>>
        %dma_start3A_77 = tpu.memref_squeeze %dma_start3A_76 : memref<1x16x64xf32, #tpu.memory_space<hbm>> -> memref<16x64xf32, #tpu.memory_space<hbm>>
        %dma_start3A_78 = arith.constant 58 : i32
        %dma_start3A_79 = arith.constant 0 : i32
        %dma_start3A_80 = tpu.memref_slice %arg4[%dma_start3A_78, %dma_start3A_79] : memref<129x64xf32, #tpu.memory_space<vmem>> -> memref<16x64xf32, #tpu.memory_space<vmem>>
        tpu.enqueue_dma source(%dma_start3A_80 : memref<16x64xf32, #tpu.memory_space<vmem>>) target(%dma_start3A_77 : memref<16x64xf32, #tpu.memory_space<hbm>>) target_semaphore(%run_scoped3A_67 : memref<!tpu.dma_semaphore, #tpu.memory_space<semaphore_mem>>)
        %dma_wait3A = arith.constant 58 : i32
        %dma_wait3A_81 = arith.constant 0 : i32
        %dma_wait3A_82 = tpu.memref_slice %arg4[%dma_wait3A, %dma_wait3A_81] : memref<129x64xf32, #tpu.memory_space<vmem>> -> memref<16x64xf32, #tpu.memory_space<vmem>>
        %dma_wait3A_83 = arith.constant 2040 : i32
        %dma_wait3A_84 = arith.constant 0 : i32
        %dma_wait3A_85 = tpu.memref_slice %arg3[%run_scoped3A_66, %dma_wait3A_83, %dma_wait3A_84] : memref<8x4088x64xf32, #tpu.memory_space<hbm>> -> memref<1x16x64xf32, #tpu.memory_space<hbm>>
        %dma_wait3A_86 = tpu.memref_squeeze %dma_wait3A_85 : memref<1x16x64xf32, #tpu.memory_space<hbm>> -> memref<16x64xf32, #tpu.memory_space<hbm>>
        %dma_wait3A_87 = arith.constant 2040 : i32
        %dma_wait3A_88 = arith.constant 0 : i32
        %dma_wait3A_89 = tpu.memref_slice %arg3[%run_scoped3A_66, %dma_wait3A_87, %dma_wait3A_88] : memref<8x4088x64xf32, #tpu.memory_space<hbm>> -> memref<1x16x64xf32, #tpu.memory_space<hbm>>
        %dma_wait3A_90 = tpu.memref_squeeze %dma_wait3A_89 : memref<1x16x64xf32, #tpu.memory_space<hbm>> -> memref<16x64xf32, #tpu.memory_space<hbm>>
        %dma_wait3A_91 = arith.constant 58 : i32
        %dma_wait3A_92 = arith.constant 0 : i32
        %dma_wait3A_93 = tpu.memref_slice %arg4[%dma_wait3A_91, %dma_wait3A_92] : memref<129x64xf32, #tpu.memory_space<vmem>> -> memref<16x64xf32, #tpu.memory_space<vmem>>
        tpu.wait_dma2 semaphore(%run_scoped3A_67 : memref<!tpu.dma_semaphore, #tpu.memory_space<semaphore_mem>>) src(%dma_wait3A_93 : memref<16x64xf32, #tpu.memory_space<vmem>>) dst(%dma_wait3A_90 : memref<16x64xf32, #tpu.memory_space<hbm>>)
        tpu.yield
      }) : () -> ()
    } else {
    }
    %eq3A_18 = arith.constant 0 : i32
    %eq3A_19 = arith.cmpi eq, %arg0, %eq3A_18 : i32
    %eq3A_20 = arith.constant 2 : i32
    %eq3A_21 = arith.cmpi eq, %arg1, %eq3A_20 : i32
    %and3A_22 = arith.andi %eq3A_19, %eq3A_21 : i1
    %convert_element_type3A_23 = arith.extui %and3A_22 : i1 to i32
    %cond3A_24 = arith.constant 0 : i32
    %cond3A_25 = arith.cmpi ne, %convert_element_type3A_23, %cond3A_24 : i32
    scf.if %cond3A_25 {
      %run_scoped3A = arith.constant 2 : i32
      "tpu.region"() ({
        %run_scoped3A_67 = tpu.sem_alloc : memref<!tpu.dma_semaphore, #tpu.memory_space<semaphore_mem>>
        %dma_start3A = arith.constant 0 : i32
        %dma_start3A_68 = arith.constant 0 : i32
        %dma_start3A_69 = tpu.memref_slice %arg3[%run_scoped3A, %dma_start3A, %dma_start3A_68] : memref<8x4088x64xf32, #tpu.memory_space<hbm>> -> memref<1x4088x64xf32, #tpu.memory_space<hbm>>
        %dma_start3A_70 = tpu.memref_squeeze %dma_start3A_69 : memref<1x4088x64xf32, #tpu.memory_space<hbm>> -> memref<4088x64xf32, #tpu.memory_space<hbm>>
        %dma_start3A_71 = arith.constant 2 : i32
        %dma_start3A_72 = arith.constant 0 : i32
        %dma_start3A_73 = tpu.memref_slice %arg6[%dma_start3A_71, %dma_start3A_72] : memref<4096x64xf32, #tpu.memory_space<vmem_shared>> -> memref<4088x64xf32, #tpu.memory_space<vmem_shared>>
        tpu.enqueue_dma source(%dma_start3A_73 : memref<4088x64xf32, #tpu.memory_space<vmem_shared>>) target(%dma_start3A_70 : memref<4088x64xf32, #tpu.memory_space<hbm>>) target_semaphore(%run_scoped3A_67 : memref<!tpu.dma_semaphore, #tpu.memory_space<semaphore_mem>>)
        %dma_wait3A = arith.constant 0 : i32
        %dma_wait3A_74 = arith.constant 0 : i32
        %dma_wait3A_75 = tpu.memref_slice %arg3[%run_scoped3A, %dma_wait3A, %dma_wait3A_74] : memref<8x4088x64xf32, #tpu.memory_space<hbm>> -> memref<1x4088x64xf32, #tpu.memory_space<hbm>>
        %dma_wait3A_76 = tpu.memref_squeeze %dma_wait3A_75 : memref<1x4088x64xf32, #tpu.memory_space<hbm>> -> memref<4088x64xf32, #tpu.memory_space<hbm>>
        %dma_wait3A_77 = arith.constant 2 : i32
        %dma_wait3A_78 = arith.constant 0 : i32
        %dma_wait3A_79 = tpu.memref_slice %arg6[%dma_wait3A_77, %dma_wait3A_78] : memref<4096x64xf32, #tpu.memory_space<vmem_shared>> -> memref<4088x64xf32, #tpu.memory_space<vmem_shared>>
        tpu.wait_dma2 semaphore(%run_scoped3A_67 : memref<!tpu.dma_semaphore, #tpu.memory_space<semaphore_mem>>) src(%dma_wait3A_79 : memref<4088x64xf32, #tpu.memory_space<vmem_shared>>) dst(%dma_wait3A_76 : memref<4088x64xf32, #tpu.memory_space<hbm>>)
        tpu.yield
      }) : () -> ()
      %run_scoped3A_66 = arith.constant 2 : i32
      "tpu.region"() ({
        %run_scoped3A_67 = tpu.sem_alloc : memref<!tpu.dma_semaphore, #tpu.memory_space<semaphore_mem>>
        %dma_start3A = arith.constant 59 : i32
        %dma_start3A_68 = arith.constant 0 : i32
        %dma_start3A_69 = tpu.memref_slice %arg4[%dma_start3A, %dma_start3A_68] : memref<129x64xf32, #tpu.memory_space<vmem>> -> memref<16x64xf32, #tpu.memory_space<vmem>>
        %dma_start3A_70 = arith.constant 2040 : i32
        %dma_start3A_71 = arith.constant 0 : i32
        %dma_start3A_72 = tpu.memref_slice %arg3[%run_scoped3A_66, %dma_start3A_70, %dma_start3A_71] : memref<8x4088x64xf32, #tpu.memory_space<hbm>> -> memref<1x16x64xf32, #tpu.memory_space<hbm>>
        %dma_start3A_73 = tpu.memref_squeeze %dma_start3A_72 : memref<1x16x64xf32, #tpu.memory_space<hbm>> -> memref<16x64xf32, #tpu.memory_space<hbm>>
        %dma_start3A_74 = arith.constant 2040 : i32
        %dma_start3A_75 = arith.constant 0 : i32
        %dma_start3A_76 = tpu.memref_slice %arg3[%run_scoped3A_66, %dma_start3A_74, %dma_start3A_75] : memref<8x4088x64xf32, #tpu.memory_space<hbm>> -> memref<1x16x64xf32, #tpu.memory_space<hbm>>
        %dma_start3A_77 = tpu.memref_squeeze %dma_start3A_76 : memref<1x16x64xf32, #tpu.memory_space<hbm>> -> memref<16x64xf32, #tpu.memory_space<hbm>>
        %dma_start3A_78 = arith.constant 59 : i32
        %dma_start3A_79 = arith.constant 0 : i32
        %dma_start3A_80 = tpu.memref_slice %arg4[%dma_start3A_78, %dma_start3A_79] : memref<129x64xf32, #tpu.memory_space<vmem>> -> memref<16x64xf32, #tpu.memory_space<vmem>>
        tpu.enqueue_dma source(%dma_start3A_80 : memref<16x64xf32, #tpu.memory_space<vmem>>) target(%dma_start3A_77 : memref<16x64xf32, #tpu.memory_space<hbm>>) target_semaphore(%run_scoped3A_67 : memref<!tpu.dma_semaphore, #tpu.memory_space<semaphore_mem>>)
        %dma_wait3A = arith.constant 59 : i32
        %dma_wait3A_81 = arith.constant 0 : i32
        %dma_wait3A_82 = tpu.memref_slice %arg4[%dma_wait3A, %dma_wait3A_81] : memref<129x64xf32, #tpu.memory_space<vmem>> -> memref<16x64xf32, #tpu.memory_space<vmem>>
        %dma_wait3A_83 = arith.constant 2040 : i32
        %dma_wait3A_84 = arith.constant 0 : i32
        %dma_wait3A_85 = tpu.memref_slice %arg3[%run_scoped3A_66, %dma_wait3A_83, %dma_wait3A_84] : memref<8x4088x64xf32, #tpu.memory_space<hbm>> -> memref<1x16x64xf32, #tpu.memory_space<hbm>>
        %dma_wait3A_86 = tpu.memref_squeeze %dma_wait3A_85 : memref<1x16x64xf32, #tpu.memory_space<hbm>> -> memref<16x64xf32, #tpu.memory_space<hbm>>
        %dma_wait3A_87 = arith.constant 2040 : i32
        %dma_wait3A_88 = arith.constant 0 : i32
        %dma_wait3A_89 = tpu.memref_slice %arg3[%run_scoped3A_66, %dma_wait3A_87, %dma_wait3A_88] : memref<8x4088x64xf32, #tpu.memory_space<hbm>> -> memref<1x16x64xf32, #tpu.memory_space<hbm>>
        %dma_wait3A_90 = tpu.memref_squeeze %dma_wait3A_89 : memref<1x16x64xf32, #tpu.memory_space<hbm>> -> memref<16x64xf32, #tpu.memory_space<hbm>>
        %dma_wait3A_91 = arith.constant 59 : i32
        %dma_wait3A_92 = arith.constant 0 : i32
        %dma_wait3A_93 = tpu.memref_slice %arg4[%dma_wait3A_91, %dma_wait3A_92] : memref<129x64xf32, #tpu.memory_space<vmem>> -> memref<16x64xf32, #tpu.memory_space<vmem>>
        tpu.wait_dma2 semaphore(%run_scoped3A_67 : memref<!tpu.dma_semaphore, #tpu.memory_space<semaphore_mem>>) src(%dma_wait3A_93 : memref<16x64xf32, #tpu.memory_space<vmem>>) dst(%dma_wait3A_90 : memref<16x64xf32, #tpu.memory_space<hbm>>)
        tpu.yield
      }) : () -> ()
    } else {
    }
    %eq3A_26 = arith.constant 0 : i32
    %eq3A_27 = arith.cmpi eq, %arg0, %eq3A_26 : i32
    %eq3A_28 = arith.constant 3 : i32
    %eq3A_29 = arith.cmpi eq, %arg1, %eq3A_28 : i32
    %and3A_30 = arith.andi %eq3A_27, %eq3A_29 : i1
    %convert_element_type3A_31 = arith.extui %and3A_30 : i1 to i32
    %cond3A_32 = arith.constant 0 : i32
    %cond3A_33 = arith.cmpi ne, %convert_element_type3A_31, %cond3A_32 : i32
    scf.if %cond3A_33 {
      %run_scoped3A = arith.constant 3 : i32
      "tpu.region"() ({
        %run_scoped3A_67 = tpu.sem_alloc : memref<!tpu.dma_semaphore, #tpu.memory_space<semaphore_mem>>
        %dma_start3A = arith.constant 0 : i32
        %dma_start3A_68 = arith.constant 0 : i32
        %dma_start3A_69 = tpu.memref_slice %arg3[%run_scoped3A, %dma_start3A, %dma_start3A_68] : memref<8x4088x64xf32, #tpu.memory_space<hbm>> -> memref<1x4088x64xf32, #tpu.memory_space<hbm>>
        %dma_start3A_70 = tpu.memref_squeeze %dma_start3A_69 : memref<1x4088x64xf32, #tpu.memory_space<hbm>> -> memref<4088x64xf32, #tpu.memory_space<hbm>>
        %dma_start3A_71 = arith.constant 3 : i32
        %dma_start3A_72 = arith.constant 0 : i32
        %dma_start3A_73 = tpu.memref_slice %arg6[%dma_start3A_71, %dma_start3A_72] : memref<4096x64xf32, #tpu.memory_space<vmem_shared>> -> memref<4088x64xf32, #tpu.memory_space<vmem_shared>>
        tpu.enqueue_dma source(%dma_start3A_73 : memref<4088x64xf32, #tpu.memory_space<vmem_shared>>) target(%dma_start3A_70 : memref<4088x64xf32, #tpu.memory_space<hbm>>) target_semaphore(%run_scoped3A_67 : memref<!tpu.dma_semaphore, #tpu.memory_space<semaphore_mem>>)
        %dma_wait3A = arith.constant 0 : i32
        %dma_wait3A_74 = arith.constant 0 : i32
        %dma_wait3A_75 = tpu.memref_slice %arg3[%run_scoped3A, %dma_wait3A, %dma_wait3A_74] : memref<8x4088x64xf32, #tpu.memory_space<hbm>> -> memref<1x4088x64xf32, #tpu.memory_space<hbm>>
        %dma_wait3A_76 = tpu.memref_squeeze %dma_wait3A_75 : memref<1x4088x64xf32, #tpu.memory_space<hbm>> -> memref<4088x64xf32, #tpu.memory_space<hbm>>
        %dma_wait3A_77 = arith.constant 3 : i32
        %dma_wait3A_78 = arith.constant 0 : i32
        %dma_wait3A_79 = tpu.memref_slice %arg6[%dma_wait3A_77, %dma_wait3A_78] : memref<4096x64xf32, #tpu.memory_space<vmem_shared>> -> memref<4088x64xf32, #tpu.memory_space<vmem_shared>>
        tpu.wait_dma2 semaphore(%run_scoped3A_67 : memref<!tpu.dma_semaphore, #tpu.memory_space<semaphore_mem>>) src(%dma_wait3A_79 : memref<4088x64xf32, #tpu.memory_space<vmem_shared>>) dst(%dma_wait3A_76 : memref<4088x64xf32, #tpu.memory_space<hbm>>)
        tpu.yield
      }) : () -> ()
      %run_scoped3A_66 = arith.constant 3 : i32
      "tpu.region"() ({
        %run_scoped3A_67 = tpu.sem_alloc : memref<!tpu.dma_semaphore, #tpu.memory_space<semaphore_mem>>
        %dma_start3A = arith.constant 60 : i32
        %dma_start3A_68 = arith.constant 0 : i32
        %dma_start3A_69 = tpu.memref_slice %arg4[%dma_start3A, %dma_start3A_68] : memref<129x64xf32, #tpu.memory_space<vmem>> -> memref<16x64xf32, #tpu.memory_space<vmem>>
        %dma_start3A_70 = arith.constant 2040 : i32
        %dma_start3A_71 = arith.constant 0 : i32
        %dma_start3A_72 = tpu.memref_slice %arg3[%run_scoped3A_66, %dma_start3A_70, %dma_start3A_71] : memref<8x4088x64xf32, #tpu.memory_space<hbm>> -> memref<1x16x64xf32, #tpu.memory_space<hbm>>
        %dma_start3A_73 = tpu.memref_squeeze %dma_start3A_72 : memref<1x16x64xf32, #tpu.memory_space<hbm>> -> memref<16x64xf32, #tpu.memory_space<hbm>>
        %dma_start3A_74 = arith.constant 2040 : i32
        %dma_start3A_75 = arith.constant 0 : i32
        %dma_start3A_76 = tpu.memref_slice %arg3[%run_scoped3A_66, %dma_start3A_74, %dma_start3A_75] : memref<8x4088x64xf32, #tpu.memory_space<hbm>> -> memref<1x16x64xf32, #tpu.memory_space<hbm>>
        %dma_start3A_77 = tpu.memref_squeeze %dma_start3A_76 : memref<1x16x64xf32, #tpu.memory_space<hbm>> -> memref<16x64xf32, #tpu.memory_space<hbm>>
        %dma_start3A_78 = arith.constant 60 : i32
        %dma_start3A_79 = arith.constant 0 : i32
        %dma_start3A_80 = tpu.memref_slice %arg4[%dma_start3A_78, %dma_start3A_79] : memref<129x64xf32, #tpu.memory_space<vmem>> -> memref<16x64xf32, #tpu.memory_space<vmem>>
        tpu.enqueue_dma source(%dma_start3A_80 : memref<16x64xf32, #tpu.memory_space<vmem>>) target(%dma_start3A_77 : memref<16x64xf32, #tpu.memory_space<hbm>>) target_semaphore(%run_scoped3A_67 : memref<!tpu.dma_semaphore, #tpu.memory_space<semaphore_mem>>)
        %dma_wait3A = arith.constant 60 : i32
        %dma_wait3A_81 = arith.constant 0 : i32
        %dma_wait3A_82 = tpu.memref_slice %arg4[%dma_wait3A, %dma_wait3A_81] : memref<129x64xf32, #tpu.memory_space<vmem>> -> memref<16x64xf32, #tpu.memory_space<vmem>>
        %dma_wait3A_83 = arith.constant 2040 : i32
        %dma_wait3A_84 = arith.constant 0 : i32
        %dma_wait3A_85 = tpu.memref_slice %arg3[%run_scoped3A_66, %dma_wait3A_83, %dma_wait3A_84] : memref<8x4088x64xf32, #tpu.memory_space<hbm>> -> memref<1x16x64xf32, #tpu.memory_space<hbm>>
        %dma_wait3A_86 = tpu.memref_squeeze %dma_wait3A_85 : memref<1x16x64xf32, #tpu.memory_space<hbm>> -> memref<16x64xf32, #tpu.memory_space<hbm>>
        %dma_wait3A_87 = arith.constant 2040 : i32
        %dma_wait3A_88 = arith.constant 0 : i32
        %dma_wait3A_89 = tpu.memref_slice %arg3[%run_scoped3A_66, %dma_wait3A_87, %dma_wait3A_88] : memref<8x4088x64xf32, #tpu.memory_space<hbm>> -> memref<1x16x64xf32, #tpu.memory_space<hbm>>
        %dma_wait3A_90 = tpu.memref_squeeze %dma_wait3A_89 : memref<1x16x64xf32, #tpu.memory_space<hbm>> -> memref<16x64xf32, #tpu.memory_space<hbm>>
        %dma_wait3A_91 = arith.constant 60 : i32
        %dma_wait3A_92 = arith.constant 0 : i32
        %dma_wait3A_93 = tpu.memref_slice %arg4[%dma_wait3A_91, %dma_wait3A_92] : memref<129x64xf32, #tpu.memory_space<vmem>> -> memref<16x64xf32, #tpu.memory_space<vmem>>
        tpu.wait_dma2 semaphore(%run_scoped3A_67 : memref<!tpu.dma_semaphore, #tpu.memory_space<semaphore_mem>>) src(%dma_wait3A_93 : memref<16x64xf32, #tpu.memory_space<vmem>>) dst(%dma_wait3A_90 : memref<16x64xf32, #tpu.memory_space<hbm>>)
        tpu.yield
      }) : () -> ()
    } else {
    }
    %eq3A_34 = arith.constant 1 : i32
    %eq3A_35 = arith.cmpi eq, %arg0, %eq3A_34 : i32
    %eq3A_36 = arith.constant 0 : i32
    %eq3A_37 = arith.cmpi eq, %arg1, %eq3A_36 : i32
    %and3A_38 = arith.andi %eq3A_35, %eq3A_37 : i1
    %convert_element_type3A_39 = arith.extui %and3A_38 : i1 to i32
    %cond3A_40 = arith.constant 0 : i32
    %cond3A_41 = arith.cmpi ne, %convert_element_type3A_39, %cond3A_40 : i32
    scf.if %cond3A_41 {
      %run_scoped3A = arith.constant 4 : i32
      "tpu.region"() ({
        %run_scoped3A_67 = tpu.sem_alloc : memref<!tpu.dma_semaphore, #tpu.memory_space<semaphore_mem>>
        %dma_start3A = arith.constant 0 : i32
        %dma_start3A_68 = arith.constant 0 : i32
        %dma_start3A_69 = tpu.memref_slice %arg3[%run_scoped3A, %dma_start3A, %dma_start3A_68] : memref<8x4088x64xf32, #tpu.memory_space<hbm>> -> memref<1x4088x64xf32, #tpu.memory_space<hbm>>
        %dma_start3A_70 = tpu.memref_squeeze %dma_start3A_69 : memref<1x4088x64xf32, #tpu.memory_space<hbm>> -> memref<4088x64xf32, #tpu.memory_space<hbm>>
        %dma_start3A_71 = arith.constant 4 : i32
        %dma_start3A_72 = arith.constant 0 : i32
        %dma_start3A_73 = tpu.memref_slice %arg6[%dma_start3A_71, %dma_start3A_72] : memref<4096x64xf32, #tpu.memory_space<vmem_shared>> -> memref<4088x64xf32, #tpu.memory_space<vmem_shared>>
        tpu.enqueue_dma source(%dma_start3A_73 : memref<4088x64xf32, #tpu.memory_space<vmem_shared>>) target(%dma_start3A_70 : memref<4088x64xf32, #tpu.memory_space<hbm>>) target_semaphore(%run_scoped3A_67 : memref<!tpu.dma_semaphore, #tpu.memory_space<semaphore_mem>>)
        %dma_wait3A = arith.constant 0 : i32
        %dma_wait3A_74 = arith.constant 0 : i32
        %dma_wait3A_75 = tpu.memref_slice %arg3[%run_scoped3A, %dma_wait3A, %dma_wait3A_74] : memref<8x4088x64xf32, #tpu.memory_space<hbm>> -> memref<1x4088x64xf32, #tpu.memory_space<hbm>>
        %dma_wait3A_76 = tpu.memref_squeeze %dma_wait3A_75 : memref<1x4088x64xf32, #tpu.memory_space<hbm>> -> memref<4088x64xf32, #tpu.memory_space<hbm>>
        %dma_wait3A_77 = arith.constant 4 : i32
        %dma_wait3A_78 = arith.constant 0 : i32
        %dma_wait3A_79 = tpu.memref_slice %arg6[%dma_wait3A_77, %dma_wait3A_78] : memref<4096x64xf32, #tpu.memory_space<vmem_shared>> -> memref<4088x64xf32, #tpu.memory_space<vmem_shared>>
        tpu.wait_dma2 semaphore(%run_scoped3A_67 : memref<!tpu.dma_semaphore, #tpu.memory_space<semaphore_mem>>) src(%dma_wait3A_79 : memref<4088x64xf32, #tpu.memory_space<vmem_shared>>) dst(%dma_wait3A_76 : memref<4088x64xf32, #tpu.memory_space<hbm>>)
        tpu.yield
      }) : () -> ()
      %run_scoped3A_66 = arith.constant 4 : i32
      "tpu.region"() ({
        %run_scoped3A_67 = tpu.sem_alloc : memref<!tpu.dma_semaphore, #tpu.memory_space<semaphore_mem>>
        %dma_start3A = arith.constant 61 : i32
        %dma_start3A_68 = arith.constant 0 : i32
        %dma_start3A_69 = tpu.memref_slice %arg4[%dma_start3A, %dma_start3A_68] : memref<129x64xf32, #tpu.memory_space<vmem>> -> memref<16x64xf32, #tpu.memory_space<vmem>>
        %dma_start3A_70 = arith.constant 2040 : i32
        %dma_start3A_71 = arith.constant 0 : i32
        %dma_start3A_72 = tpu.memref_slice %arg3[%run_scoped3A_66, %dma_start3A_70, %dma_start3A_71] : memref<8x4088x64xf32, #tpu.memory_space<hbm>> -> memref<1x16x64xf32, #tpu.memory_space<hbm>>
        %dma_start3A_73 = tpu.memref_squeeze %dma_start3A_72 : memref<1x16x64xf32, #tpu.memory_space<hbm>> -> memref<16x64xf32, #tpu.memory_space<hbm>>
        %dma_start3A_74 = arith.constant 2040 : i32
        %dma_start3A_75 = arith.constant 0 : i32
        %dma_start3A_76 = tpu.memref_slice %arg3[%run_scoped3A_66, %dma_start3A_74, %dma_start3A_75] : memref<8x4088x64xf32, #tpu.memory_space<hbm>> -> memref<1x16x64xf32, #tpu.memory_space<hbm>>
        %dma_start3A_77 = tpu.memref_squeeze %dma_start3A_76 : memref<1x16x64xf32, #tpu.memory_space<hbm>> -> memref<16x64xf32, #tpu.memory_space<hbm>>
        %dma_start3A_78 = arith.constant 61 : i32
        %dma_start3A_79 = arith.constant 0 : i32
        %dma_start3A_80 = tpu.memref_slice %arg4[%dma_start3A_78, %dma_start3A_79] : memref<129x64xf32, #tpu.memory_space<vmem>> -> memref<16x64xf32, #tpu.memory_space<vmem>>
        tpu.enqueue_dma source(%dma_start3A_80 : memref<16x64xf32, #tpu.memory_space<vmem>>) target(%dma_start3A_77 : memref<16x64xf32, #tpu.memory_space<hbm>>) target_semaphore(%run_scoped3A_67 : memref<!tpu.dma_semaphore, #tpu.memory_space<semaphore_mem>>)
        %dma_wait3A = arith.constant 61 : i32
        %dma_wait3A_81 = arith.constant 0 : i32
        %dma_wait3A_82 = tpu.memref_slice %arg4[%dma_wait3A, %dma_wait3A_81] : memref<129x64xf32, #tpu.memory_space<vmem>> -> memref<16x64xf32, #tpu.memory_space<vmem>>
        %dma_wait3A_83 = arith.constant 2040 : i32
        %dma_wait3A_84 = arith.constant 0 : i32
        %dma_wait3A_85 = tpu.memref_slice %arg3[%run_scoped3A_66, %dma_wait3A_83, %dma_wait3A_84] : memref<8x4088x64xf32, #tpu.memory_space<hbm>> -> memref<1x16x64xf32, #tpu.memory_space<hbm>>
        %dma_wait3A_86 = tpu.memref_squeeze %dma_wait3A_85 : memref<1x16x64xf32, #tpu.memory_space<hbm>> -> memref<16x64xf32, #tpu.memory_space<hbm>>
        %dma_wait3A_87 = arith.constant 2040 : i32
        %dma_wait3A_88 = arith.constant 0 : i32
        %dma_wait3A_89 = tpu.memref_slice %arg3[%run_scoped3A_66, %dma_wait3A_87, %dma_wait3A_88] : memref<8x4088x64xf32, #tpu.memory_space<hbm>> -> memref<1x16x64xf32, #tpu.memory_space<hbm>>
        %dma_wait3A_90 = tpu.memref_squeeze %dma_wait3A_89 : memref<1x16x64xf32, #tpu.memory_space<hbm>> -> memref<16x64xf32, #tpu.memory_space<hbm>>
        %dma_wait3A_91 = arith.constant 61 : i32
        %dma_wait3A_92 = arith.constant 0 : i32
        %dma_wait3A_93 = tpu.memref_slice %arg4[%dma_wait3A_91, %dma_wait3A_92] : memref<129x64xf32, #tpu.memory_space<vmem>> -> memref<16x64xf32, #tpu.memory_space<vmem>>
        tpu.wait_dma2 semaphore(%run_scoped3A_67 : memref<!tpu.dma_semaphore, #tpu.memory_space<semaphore_mem>>) src(%dma_wait3A_93 : memref<16x64xf32, #tpu.memory_space<vmem>>) dst(%dma_wait3A_90 : memref<16x64xf32, #tpu.memory_space<hbm>>)
        tpu.yield
      }) : () -> ()
    } else {
    }
    %eq3A_42 = arith.constant 1 : i32
    %eq3A_43 = arith.cmpi eq, %arg0, %eq3A_42 : i32
    %eq3A_44 = arith.constant 1 : i32
    %eq3A_45 = arith.cmpi eq, %arg1, %eq3A_44 : i32
    %and3A_46 = arith.andi %eq3A_43, %eq3A_45 : i1
    %convert_element_type3A_47 = arith.extui %and3A_46 : i1 to i32
    %cond3A_48 = arith.constant 0 : i32
    %cond3A_49 = arith.cmpi ne, %convert_element_type3A_47, %cond3A_48 : i32
    scf.if %cond3A_49 {
      %run_scoped3A = arith.constant 5 : i32
      "tpu.region"() ({
        %run_scoped3A_67 = tpu.sem_alloc : memref<!tpu.dma_semaphore, #tpu.memory_space<semaphore_mem>>
        %dma_start3A = arith.constant 0 : i32
        %dma_start3A_68 = arith.constant 0 : i32
        %dma_start3A_69 = tpu.memref_slice %arg3[%run_scoped3A, %dma_start3A, %dma_start3A_68] : memref<8x4088x64xf32, #tpu.memory_space<hbm>> -> memref<1x4088x64xf32, #tpu.memory_space<hbm>>
        %dma_start3A_70 = tpu.memref_squeeze %dma_start3A_69 : memref<1x4088x64xf32, #tpu.memory_space<hbm>> -> memref<4088x64xf32, #tpu.memory_space<hbm>>
        %dma_start3A_71 = arith.constant 5 : i32
        %dma_start3A_72 = arith.constant 0 : i32
        %dma_start3A_73 = tpu.memref_slice %arg6[%dma_start3A_71, %dma_start3A_72] : memref<4096x64xf32, #tpu.memory_space<vmem_shared>> -> memref<4088x64xf32, #tpu.memory_space<vmem_shared>>
        tpu.enqueue_dma source(%dma_start3A_73 : memref<4088x64xf32, #tpu.memory_space<vmem_shared>>) target(%dma_start3A_70 : memref<4088x64xf32, #tpu.memory_space<hbm>>) target_semaphore(%run_scoped3A_67 : memref<!tpu.dma_semaphore, #tpu.memory_space<semaphore_mem>>)
        %dma_wait3A = arith.constant 0 : i32
        %dma_wait3A_74 = arith.constant 0 : i32
        %dma_wait3A_75 = tpu.memref_slice %arg3[%run_scoped3A, %dma_wait3A, %dma_wait3A_74] : memref<8x4088x64xf32, #tpu.memory_space<hbm>> -> memref<1x4088x64xf32, #tpu.memory_space<hbm>>
        %dma_wait3A_76 = tpu.memref_squeeze %dma_wait3A_75 : memref<1x4088x64xf32, #tpu.memory_space<hbm>> -> memref<4088x64xf32, #tpu.memory_space<hbm>>
        %dma_wait3A_77 = arith.constant 5 : i32
        %dma_wait3A_78 = arith.constant 0 : i32
        %dma_wait3A_79 = tpu.memref_slice %arg6[%dma_wait3A_77, %dma_wait3A_78] : memref<4096x64xf32, #tpu.memory_space<vmem_shared>> -> memref<4088x64xf32, #tpu.memory_space<vmem_shared>>
        tpu.wait_dma2 semaphore(%run_scoped3A_67 : memref<!tpu.dma_semaphore, #tpu.memory_space<semaphore_mem>>) src(%dma_wait3A_79 : memref<4088x64xf32, #tpu.memory_space<vmem_shared>>) dst(%dma_wait3A_76 : memref<4088x64xf32, #tpu.memory_space<hbm>>)
        tpu.yield
      }) : () -> ()
      %run_scoped3A_66 = arith.constant 5 : i32
      "tpu.region"() ({
        %run_scoped3A_67 = tpu.sem_alloc : memref<!tpu.dma_semaphore, #tpu.memory_space<semaphore_mem>>
        %dma_start3A = arith.constant 62 : i32
        %dma_start3A_68 = arith.constant 0 : i32
        %dma_start3A_69 = tpu.memref_slice %arg4[%dma_start3A, %dma_start3A_68] : memref<129x64xf32, #tpu.memory_space<vmem>> -> memref<16x64xf32, #tpu.memory_space<vmem>>
        %dma_start3A_70 = arith.constant 2040 : i32
        %dma_start3A_71 = arith.constant 0 : i32
        %dma_start3A_72 = tpu.memref_slice %arg3[%run_scoped3A_66, %dma_start3A_70, %dma_start3A_71] : memref<8x4088x64xf32, #tpu.memory_space<hbm>> -> memref<1x16x64xf32, #tpu.memory_space<hbm>>
        %dma_start3A_73 = tpu.memref_squeeze %dma_start3A_72 : memref<1x16x64xf32, #tpu.memory_space<hbm>> -> memref<16x64xf32, #tpu.memory_space<hbm>>
        %dma_start3A_74 = arith.constant 2040 : i32
        %dma_start3A_75 = arith.constant 0 : i32
        %dma_start3A_76 = tpu.memref_slice %arg3[%run_scoped3A_66, %dma_start3A_74, %dma_start3A_75] : memref<8x4088x64xf32, #tpu.memory_space<hbm>> -> memref<1x16x64xf32, #tpu.memory_space<hbm>>
        %dma_start3A_77 = tpu.memref_squeeze %dma_start3A_76 : memref<1x16x64xf32, #tpu.memory_space<hbm>> -> memref<16x64xf32, #tpu.memory_space<hbm>>
        %dma_start3A_78 = arith.constant 62 : i32
        %dma_start3A_79 = arith.constant 0 : i32
        %dma_start3A_80 = tpu.memref_slice %arg4[%dma_start3A_78, %dma_start3A_79] : memref<129x64xf32, #tpu.memory_space<vmem>> -> memref<16x64xf32, #tpu.memory_space<vmem>>
        tpu.enqueue_dma source(%dma_start3A_80 : memref<16x64xf32, #tpu.memory_space<vmem>>) target(%dma_start3A_77 : memref<16x64xf32, #tpu.memory_space<hbm>>) target_semaphore(%run_scoped3A_67 : memref<!tpu.dma_semaphore, #tpu.memory_space<semaphore_mem>>)
        %dma_wait3A = arith.constant 62 : i32
        %dma_wait3A_81 = arith.constant 0 : i32
        %dma_wait3A_82 = tpu.memref_slice %arg4[%dma_wait3A, %dma_wait3A_81] : memref<129x64xf32, #tpu.memory_space<vmem>> -> memref<16x64xf32, #tpu.memory_space<vmem>>
        %dma_wait3A_83 = arith.constant 2040 : i32
        %dma_wait3A_84 = arith.constant 0 : i32
        %dma_wait3A_85 = tpu.memref_slice %arg3[%run_scoped3A_66, %dma_wait3A_83, %dma_wait3A_84] : memref<8x4088x64xf32, #tpu.memory_space<hbm>> -> memref<1x16x64xf32, #tpu.memory_space<hbm>>
        %dma_wait3A_86 = tpu.memref_squeeze %dma_wait3A_85 : memref<1x16x64xf32, #tpu.memory_space<hbm>> -> memref<16x64xf32, #tpu.memory_space<hbm>>
        %dma_wait3A_87 = arith.constant 2040 : i32
        %dma_wait3A_88 = arith.constant 0 : i32
        %dma_wait3A_89 = tpu.memref_slice %arg3[%run_scoped3A_66, %dma_wait3A_87, %dma_wait3A_88] : memref<8x4088x64xf32, #tpu.memory_space<hbm>> -> memref<1x16x64xf32, #tpu.memory_space<hbm>>
        %dma_wait3A_90 = tpu.memref_squeeze %dma_wait3A_89 : memref<1x16x64xf32, #tpu.memory_space<hbm>> -> memref<16x64xf32, #tpu.memory_space<hbm>>
        %dma_wait3A_91 = arith.constant 62 : i32
        %dma_wait3A_92 = arith.constant 0 : i32
        %dma_wait3A_93 = tpu.memref_slice %arg4[%dma_wait3A_91, %dma_wait3A_92] : memref<129x64xf32, #tpu.memory_space<vmem>> -> memref<16x64xf32, #tpu.memory_space<vmem>>
        tpu.wait_dma2 semaphore(%run_scoped3A_67 : memref<!tpu.dma_semaphore, #tpu.memory_space<semaphore_mem>>) src(%dma_wait3A_93 : memref<16x64xf32, #tpu.memory_space<vmem>>) dst(%dma_wait3A_90 : memref<16x64xf32, #tpu.memory_space<hbm>>)
        tpu.yield
      }) : () -> ()
    } else {
    }
    %eq3A_50 = arith.constant 1 : i32
    %eq3A_51 = arith.cmpi eq, %arg0, %eq3A_50 : i32
    %eq3A_52 = arith.constant 2 : i32
    %eq3A_53 = arith.cmpi eq, %arg1, %eq3A_52 : i32
    %and3A_54 = arith.andi %eq3A_51, %eq3A_53 : i1
    %convert_element_type3A_55 = arith.extui %and3A_54 : i1 to i32
    %cond3A_56 = arith.constant 0 : i32
    %cond3A_57 = arith.cmpi ne, %convert_element_type3A_55, %cond3A_56 : i32
    scf.if %cond3A_57 {
      %run_scoped3A = arith.constant 6 : i32
      "tpu.region"() ({
        %run_scoped3A_67 = tpu.sem_alloc : memref<!tpu.dma_semaphore, #tpu.memory_space<semaphore_mem>>
        %dma_start3A = arith.constant 0 : i32
        %dma_start3A_68 = arith.constant 0 : i32
        %dma_start3A_69 = tpu.memref_slice %arg3[%run_scoped3A, %dma_start3A, %dma_start3A_68] : memref<8x4088x64xf32, #tpu.memory_space<hbm>> -> memref<1x4088x64xf32, #tpu.memory_space<hbm>>
        %dma_start3A_70 = tpu.memref_squeeze %dma_start3A_69 : memref<1x4088x64xf32, #tpu.memory_space<hbm>> -> memref<4088x64xf32, #tpu.memory_space<hbm>>
        %dma_start3A_71 = arith.constant 6 : i32
        %dma_start3A_72 = arith.constant 0 : i32
        %dma_start3A_73 = tpu.memref_slice %arg6[%dma_start3A_71, %dma_start3A_72] : memref<4096x64xf32, #tpu.memory_space<vmem_shared>> -> memref<4088x64xf32, #tpu.memory_space<vmem_shared>>
        tpu.enqueue_dma source(%dma_start3A_73 : memref<4088x64xf32, #tpu.memory_space<vmem_shared>>) target(%dma_start3A_70 : memref<4088x64xf32, #tpu.memory_space<hbm>>) target_semaphore(%run_scoped3A_67 : memref<!tpu.dma_semaphore, #tpu.memory_space<semaphore_mem>>)
        %dma_wait3A = arith.constant 0 : i32
        %dma_wait3A_74 = arith.constant 0 : i32
        %dma_wait3A_75 = tpu.memref_slice %arg3[%run_scoped3A, %dma_wait3A, %dma_wait3A_74] : memref<8x4088x64xf32, #tpu.memory_space<hbm>> -> memref<1x4088x64xf32, #tpu.memory_space<hbm>>
        %dma_wait3A_76 = tpu.memref_squeeze %dma_wait3A_75 : memref<1x4088x64xf32, #tpu.memory_space<hbm>> -> memref<4088x64xf32, #tpu.memory_space<hbm>>
        %dma_wait3A_77 = arith.constant 6 : i32
        %dma_wait3A_78 = arith.constant 0 : i32
        %dma_wait3A_79 = tpu.memref_slice %arg6[%dma_wait3A_77, %dma_wait3A_78] : memref<4096x64xf32, #tpu.memory_space<vmem_shared>> -> memref<4088x64xf32, #tpu.memory_space<vmem_shared>>
        tpu.wait_dma2 semaphore(%run_scoped3A_67 : memref<!tpu.dma_semaphore, #tpu.memory_space<semaphore_mem>>) src(%dma_wait3A_79 : memref<4088x64xf32, #tpu.memory_space<vmem_shared>>) dst(%dma_wait3A_76 : memref<4088x64xf32, #tpu.memory_space<hbm>>)
        tpu.yield
      }) : () -> ()
      %run_scoped3A_66 = arith.constant 6 : i32
      "tpu.region"() ({
        %run_scoped3A_67 = tpu.sem_alloc : memref<!tpu.dma_semaphore, #tpu.memory_space<semaphore_mem>>
        %dma_start3A = arith.constant 63 : i32
        %dma_start3A_68 = arith.constant 0 : i32
        %dma_start3A_69 = tpu.memref_slice %arg4[%dma_start3A, %dma_start3A_68] : memref<129x64xf32, #tpu.memory_space<vmem>> -> memref<16x64xf32, #tpu.memory_space<vmem>>
        %dma_start3A_70 = arith.constant 2040 : i32
        %dma_start3A_71 = arith.constant 0 : i32
        %dma_start3A_72 = tpu.memref_slice %arg3[%run_scoped3A_66, %dma_start3A_70, %dma_start3A_71] : memref<8x4088x64xf32, #tpu.memory_space<hbm>> -> memref<1x16x64xf32, #tpu.memory_space<hbm>>
        %dma_start3A_73 = tpu.memref_squeeze %dma_start3A_72 : memref<1x16x64xf32, #tpu.memory_space<hbm>> -> memref<16x64xf32, #tpu.memory_space<hbm>>
        %dma_start3A_74 = arith.constant 2040 : i32
        %dma_start3A_75 = arith.constant 0 : i32
        %dma_start3A_76 = tpu.memref_slice %arg3[%run_scoped3A_66, %dma_start3A_74, %dma_start3A_75] : memref<8x4088x64xf32, #tpu.memory_space<hbm>> -> memref<1x16x64xf32, #tpu.memory_space<hbm>>
        %dma_start3A_77 = tpu.memref_squeeze %dma_start3A_76 : memref<1x16x64xf32, #tpu.memory_space<hbm>> -> memref<16x64xf32, #tpu.memory_space<hbm>>
        %dma_start3A_78 = arith.constant 63 : i32
        %dma_start3A_79 = arith.constant 0 : i32
        %dma_start3A_80 = tpu.memref_slice %arg4[%dma_start3A_78, %dma_start3A_79] : memref<129x64xf32, #tpu.memory_space<vmem>> -> memref<16x64xf32, #tpu.memory_space<vmem>>
        tpu.enqueue_dma source(%dma_start3A_80 : memref<16x64xf32, #tpu.memory_space<vmem>>) target(%dma_start3A_77 : memref<16x64xf32, #tpu.memory_space<hbm>>) target_semaphore(%run_scoped3A_67 : memref<!tpu.dma_semaphore, #tpu.memory_space<semaphore_mem>>)
        %dma_wait3A = arith.constant 63 : i32
        %dma_wait3A_81 = arith.constant 0 : i32
        %dma_wait3A_82 = tpu.memref_slice %arg4[%dma_wait3A, %dma_wait3A_81] : memref<129x64xf32, #tpu.memory_space<vmem>> -> memref<16x64xf32, #tpu.memory_space<vmem>>
        %dma_wait3A_83 = arith.constant 2040 : i32
        %dma_wait3A_84 = arith.constant 0 : i32
        %dma_wait3A_85 = tpu.memref_slice %arg3[%run_scoped3A_66, %dma_wait3A_83, %dma_wait3A_84] : memref<8x4088x64xf32, #tpu.memory_space<hbm>> -> memref<1x16x64xf32, #tpu.memory_space<hbm>>
        %dma_wait3A_86 = tpu.memref_squeeze %dma_wait3A_85 : memref<1x16x64xf32, #tpu.memory_space<hbm>> -> memref<16x64xf32, #tpu.memory_space<hbm>>
        %dma_wait3A_87 = arith.constant 2040 : i32
        %dma_wait3A_88 = arith.constant 0 : i32
        %dma_wait3A_89 = tpu.memref_slice %arg3[%run_scoped3A_66, %dma_wait3A_87, %dma_wait3A_88] : memref<8x4088x64xf32, #tpu.memory_space<hbm>> -> memref<1x16x64xf32, #tpu.memory_space<hbm>>
        %dma_wait3A_90 = tpu.memref_squeeze %dma_wait3A_89 : memref<1x16x64xf32, #tpu.memory_space<hbm>> -> memref<16x64xf32, #tpu.memory_space<hbm>>
        %dma_wait3A_91 = arith.constant 63 : i32
        %dma_wait3A_92 = arith.constant 0 : i32
        %dma_wait3A_93 = tpu.memref_slice %arg4[%dma_wait3A_91, %dma_wait3A_92] : memref<129x64xf32, #tpu.memory_space<vmem>> -> memref<16x64xf32, #tpu.memory_space<vmem>>
        tpu.wait_dma2 semaphore(%run_scoped3A_67 : memref<!tpu.dma_semaphore, #tpu.memory_space<semaphore_mem>>) src(%dma_wait3A_93 : memref<16x64xf32, #tpu.memory_space<vmem>>) dst(%dma_wait3A_90 : memref<16x64xf32, #tpu.memory_space<hbm>>)
        tpu.yield
      }) : () -> ()
    } else {
    }
    %eq3A_58 = arith.constant 1 : i32
    %eq3A_59 = arith.cmpi eq, %arg0, %eq3A_58 : i32
    %eq3A_60 = arith.constant 3 : i32
    %eq3A_61 = arith.cmpi eq, %arg1, %eq3A_60 : i32
    %and3A_62 = arith.andi %eq3A_59, %eq3A_61 : i1
    %convert_element_type3A_63 = arith.extui %and3A_62 : i1 to i32
    %cond3A_64 = arith.constant 0 : i32
    %cond3A_65 = arith.cmpi ne, %convert_element_type3A_63, %cond3A_64 : i32
    scf.if %cond3A_65 {
      %run_scoped3A = arith.constant 7 : i32
      "tpu.region"() ({
        %run_scoped3A_67 = tpu.sem_alloc : memref<!tpu.dma_semaphore, #tpu.memory_space<semaphore_mem>>
        %dma_start3A = arith.constant 0 : i32
        %dma_start3A_68 = arith.constant 0 : i32
        %dma_start3A_69 = tpu.memref_slice %arg3[%run_scoped3A, %dma_start3A, %dma_start3A_68] : memref<8x4088x64xf32, #tpu.memory_space<hbm>> -> memref<1x4088x64xf32, #tpu.memory_space<hbm>>
        %dma_start3A_70 = tpu.memref_squeeze %dma_start3A_69 : memref<1x4088x64xf32, #tpu.memory_space<hbm>> -> memref<4088x64xf32, #tpu.memory_space<hbm>>
        %dma_start3A_71 = arith.constant 7 : i32
        %dma_start3A_72 = arith.constant 0 : i32
        %dma_start3A_73 = tpu.memref_slice %arg6[%dma_start3A_71, %dma_start3A_72] : memref<4096x64xf32, #tpu.memory_space<vmem_shared>> -> memref<4088x64xf32, #tpu.memory_space<vmem_shared>>
        tpu.enqueue_dma source(%dma_start3A_73 : memref<4088x64xf32, #tpu.memory_space<vmem_shared>>) target(%dma_start3A_70 : memref<4088x64xf32, #tpu.memory_space<hbm>>) target_semaphore(%run_scoped3A_67 : memref<!tpu.dma_semaphore, #tpu.memory_space<semaphore_mem>>)
        %dma_wait3A = arith.constant 0 : i32
        %dma_wait3A_74 = arith.constant 0 : i32
        %dma_wait3A_75 = tpu.memref_slice %arg3[%run_scoped3A, %dma_wait3A, %dma_wait3A_74] : memref<8x4088x64xf32, #tpu.memory_space<hbm>> -> memref<1x4088x64xf32, #tpu.memory_space<hbm>>
        %dma_wait3A_76 = tpu.memref_squeeze %dma_wait3A_75 : memref<1x4088x64xf32, #tpu.memory_space<hbm>> -> memref<4088x64xf32, #tpu.memory_space<hbm>>
        %dma_wait3A_77 = arith.constant 7 : i32
        %dma_wait3A_78 = arith.constant 0 : i32
        %dma_wait3A_79 = tpu.memref_slice %arg6[%dma_wait3A_77, %dma_wait3A_78] : memref<4096x64xf32, #tpu.memory_space<vmem_shared>> -> memref<4088x64xf32, #tpu.memory_space<vmem_shared>>
        tpu.wait_dma2 semaphore(%run_scoped3A_67 : memref<!tpu.dma_semaphore, #tpu.memory_space<semaphore_mem>>) src(%dma_wait3A_79 : memref<4088x64xf32, #tpu.memory_space<vmem_shared>>) dst(%dma_wait3A_76 : memref<4088x64xf32, #tpu.memory_space<hbm>>)
        tpu.yield
      }) : () -> ()
      %run_scoped3A_66 = arith.constant 7 : i32
      "tpu.region"() ({
        %run_scoped3A_67 = tpu.sem_alloc : memref<!tpu.dma_semaphore, #tpu.memory_space<semaphore_mem>>
        %dma_start3A = arith.constant 64 : i32
        %dma_start3A_68 = arith.constant 0 : i32
        %dma_start3A_69 = tpu.memref_slice %arg4[%dma_start3A, %dma_start3A_68] : memref<129x64xf32, #tpu.memory_space<vmem>> -> memref<16x64xf32, #tpu.memory_space<vmem>>
        %dma_start3A_70 = arith.constant 2040 : i32
        %dma_start3A_71 = arith.constant 0 : i32
        %dma_start3A_72 = tpu.memref_slice %arg3[%run_scoped3A_66, %dma_start3A_70, %dma_start3A_71] : memref<8x4088x64xf32, #tpu.memory_space<hbm>> -> memref<1x16x64xf32, #tpu.memory_space<hbm>>
        %dma_start3A_73 = tpu.memref_squeeze %dma_start3A_72 : memref<1x16x64xf32, #tpu.memory_space<hbm>> -> memref<16x64xf32, #tpu.memory_space<hbm>>
        %dma_start3A_74 = arith.constant 2040 : i32
        %dma_start3A_75 = arith.constant 0 : i32
        %dma_start3A_76 = tpu.memref_slice %arg3[%run_scoped3A_66, %dma_start3A_74, %dma_start3A_75] : memref<8x4088x64xf32, #tpu.memory_space<hbm>> -> memref<1x16x64xf32, #tpu.memory_space<hbm>>
        %dma_start3A_77 = tpu.memref_squeeze %dma_start3A_76 : memref<1x16x64xf32, #tpu.memory_space<hbm>> -> memref<16x64xf32, #tpu.memory_space<hbm>>
        %dma_start3A_78 = arith.constant 64 : i32
        %dma_start3A_79 = arith.constant 0 : i32
        %dma_start3A_80 = tpu.memref_slice %arg4[%dma_start3A_78, %dma_start3A_79] : memref<129x64xf32, #tpu.memory_space<vmem>> -> memref<16x64xf32, #tpu.memory_space<vmem>>
        tpu.enqueue_dma source(%dma_start3A_80 : memref<16x64xf32, #tpu.memory_space<vmem>>) target(%dma_start3A_77 : memref<16x64xf32, #tpu.memory_space<hbm>>) target_semaphore(%run_scoped3A_67 : memref<!tpu.dma_semaphore, #tpu.memory_space<semaphore_mem>>)
        %dma_wait3A = arith.constant 64 : i32
        %dma_wait3A_81 = arith.constant 0 : i32
        %dma_wait3A_82 = tpu.memref_slice %arg4[%dma_wait3A, %dma_wait3A_81] : memref<129x64xf32, #tpu.memory_space<vmem>> -> memref<16x64xf32, #tpu.memory_space<vmem>>
        %dma_wait3A_83 = arith.constant 2040 : i32
        %dma_wait3A_84 = arith.constant 0 : i32
        %dma_wait3A_85 = tpu.memref_slice %arg3[%run_scoped3A_66, %dma_wait3A_83, %dma_wait3A_84] : memref<8x4088x64xf32, #tpu.memory_space<hbm>> -> memref<1x16x64xf32, #tpu.memory_space<hbm>>
        %dma_wait3A_86 = tpu.memref_squeeze %dma_wait3A_85 : memref<1x16x64xf32, #tpu.memory_space<hbm>> -> memref<16x64xf32, #tpu.memory_space<hbm>>
        %dma_wait3A_87 = arith.constant 2040 : i32
        %dma_wait3A_88 = arith.constant 0 : i32
        %dma_wait3A_89 = tpu.memref_slice %arg3[%run_scoped3A_66, %dma_wait3A_87, %dma_wait3A_88] : memref<8x4088x64xf32, #tpu.memory_space<hbm>> -> memref<1x16x64xf32, #tpu.memory_space<hbm>>
        %dma_wait3A_90 = tpu.memref_squeeze %dma_wait3A_89 : memref<1x16x64xf32, #tpu.memory_space<hbm>> -> memref<16x64xf32, #tpu.memory_space<hbm>>
        %dma_wait3A_91 = arith.constant 64 : i32
        %dma_wait3A_92 = arith.constant 0 : i32
        %dma_wait3A_93 = tpu.memref_slice %arg4[%dma_wait3A_91, %dma_wait3A_92] : memref<129x64xf32, #tpu.memory_space<vmem>> -> memref<16x64xf32, #tpu.memory_space<vmem>>
        tpu.wait_dma2 semaphore(%run_scoped3A_67 : memref<!tpu.dma_semaphore, #tpu.memory_space<semaphore_mem>>) src(%dma_wait3A_93 : memref<16x64xf32, #tpu.memory_space<vmem>>) dst(%dma_wait3A_90 : memref<16x64xf32, #tpu.memory_space<hbm>>)
        tpu.yield
      }) : () -> ()
    } else {
    }
    return
  }
}

module attributes {stable_mosaic.version = 14 : i64} {
  func.func @_tc_fanout_body(%arg0: i32, %arg1: memref<8x4088x64xf32, #tpu.memory_space<vmem>>, %arg2: memref<16x2048x64xf32, #tpu.memory_space<vmem>>) attributes {dimension_semantics = [#tpu.dimension_semantics<arbitrary>], iteration_bounds = array<i64: 128>, scalar_prefetch = 0 : i64, scratch_operands = 0 : i64, tpu.core_type = #tpu.core_type<tc>, window_params = [{pipeline_mode = #tpu.pipeline_mode<synchronous>, transform_indices = @transform_0, window_bounds = array<i64: 8, 4088, 64>}, {transform_indices = @transform_1, window_bounds = array<i64: 16, 2048, 64>}]} {
    %mul3A = arith.constant 16 : i32
    %mul3A_0 = arith.muli %arg0, %mul3A : i32
    %add3A = arith.constant 0 : i32
    %add3A_1 = arith.addi %mul3A_0, %add3A : i32
    %sub3A = arith.constant 2047 : i32
    %sub3A_2 = arith.subi %sub3A, %add3A_1 : i32
    %sub3A_3 = arith.constant 7 : i32
    %sub3A_4 = arith.subi %sub3A_2, %sub3A_3 : i32
    %get3A = arith.constant 7 : index
    %get3A_5 = arith.index_cast %sub3A_4 : i32 to index
    %get3A_6 = arith.constant 0 : index
    %get3A_7 = vector.load %arg1[%get3A, %get3A_5, %get3A_6] : memref<8x4088x64xf32, #tpu.memory_space<vmem>>, vector<1x2048x64xf32>
    %get3A_8 = vector.shape_cast %get3A_7 : vector<1x2048x64xf32> to vector<2048x64xf32>
    %swap3A = arith.constant 0 : index
    %swap3A_9 = arith.constant 0 : index
    %swap3A_10 = arith.constant 0 : index
    %swap3A_11 = vector.load %arg2[%swap3A, %swap3A_9, %swap3A_10] : memref<16x2048x64xf32, #tpu.memory_space<vmem>>, vector<1x2048x64xf32>
    %swap3A_12 = vector.shape_cast %swap3A_11 : vector<1x2048x64xf32> to vector<2048x64xf32>
    %swap3A_13 = vector.shape_cast %get3A_8 : vector<2048x64xf32> to vector<1x2048x64xf32>
    tpu.vector_store %arg2[%swap3A, %swap3A_9, %swap3A_10], %swap3A_13 {strides = array<i32>} : memref<16x2048x64xf32, #tpu.memory_space<vmem>>, vector<1x2048x64xf32>,
    %mul3A_14 = arith.constant 16 : i32
    %mul3A_15 = arith.muli %arg0, %mul3A_14 : i32
    %add3A_16 = arith.constant 1 : i32
    %add3A_17 = arith.addi %mul3A_15, %add3A_16 : i32
    %sub3A_18 = arith.constant 2047 : i32
    %sub3A_19 = arith.subi %sub3A_18, %add3A_17 : i32
    %sub3A_20 = arith.constant 6 : i32
    %sub3A_21 = arith.subi %sub3A_19, %sub3A_20 : i32
    %get3A_22 = arith.constant 6 : index
    %get3A_23 = arith.index_cast %sub3A_21 : i32 to index
    %get3A_24 = arith.constant 0 : index
    %get3A_25 = vector.load %arg1[%get3A_22, %get3A_23, %get3A_24] : memref<8x4088x64xf32, #tpu.memory_space<vmem>>, vector<1x2048x64xf32>
    %get3A_26 = vector.shape_cast %get3A_25 : vector<1x2048x64xf32> to vector<2048x64xf32>
    %swap3A_27 = arith.constant 1 : index
    %swap3A_28 = arith.constant 0 : index
    %swap3A_29 = arith.constant 0 : index
    %swap3A_30 = vector.load %arg2[%swap3A_27, %swap3A_28, %swap3A_29] : memref<16x2048x64xf32, #tpu.memory_space<vmem>>, vector<1x2048x64xf32>
    %swap3A_31 = vector.shape_cast %swap3A_30 : vector<1x2048x64xf32> to vector<2048x64xf32>
    %swap3A_32 = vector.shape_cast %get3A_26 : vector<2048x64xf32> to vector<1x2048x64xf32>
    tpu.vector_store %arg2[%swap3A_27, %swap3A_28, %swap3A_29], %swap3A_32 {strides = array<i32>} : memref<16x2048x64xf32, #tpu.memory_space<vmem>>, vector<1x2048x64xf32>,
    %mul3A_33 = arith.constant 16 : i32
    %mul3A_34 = arith.muli %arg0, %mul3A_33 : i32
    %add3A_35 = arith.constant 2 : i32
    %add3A_36 = arith.addi %mul3A_34, %add3A_35 : i32
    %sub3A_37 = arith.constant 2047 : i32
    %sub3A_38 = arith.subi %sub3A_37, %add3A_36 : i32
    %sub3A_39 = arith.constant 5 : i32
    %sub3A_40 = arith.subi %sub3A_38, %sub3A_39 : i32
    %get3A_41 = arith.constant 5 : index
    %get3A_42 = arith.index_cast %sub3A_40 : i32 to index
    %get3A_43 = arith.constant 0 : index
    %get3A_44 = vector.load %arg1[%get3A_41, %get3A_42, %get3A_43] : memref<8x4088x64xf32, #tpu.memory_space<vmem>>, vector<1x2048x64xf32>
    %get3A_45 = vector.shape_cast %get3A_44 : vector<1x2048x64xf32> to vector<2048x64xf32>
    %swap3A_46 = arith.constant 2 : index
    %swap3A_47 = arith.constant 0 : index
    %swap3A_48 = arith.constant 0 : index
    %swap3A_49 = vector.load %arg2[%swap3A_46, %swap3A_47, %swap3A_48] : memref<16x2048x64xf32, #tpu.memory_space<vmem>>, vector<1x2048x64xf32>
    %swap3A_50 = vector.shape_cast %swap3A_49 : vector<1x2048x64xf32> to vector<2048x64xf32>
    %swap3A_51 = vector.shape_cast %get3A_45 : vector<2048x64xf32> to vector<1x2048x64xf32>
    tpu.vector_store %arg2[%swap3A_46, %swap3A_47, %swap3A_48], %swap3A_51 {strides = array<i32>} : memref<16x2048x64xf32, #tpu.memory_space<vmem>>, vector<1x2048x64xf32>,
    %mul3A_52 = arith.constant 16 : i32
    %mul3A_53 = arith.muli %arg0, %mul3A_52 : i32
    %add3A_54 = arith.constant 3 : i32
    %add3A_55 = arith.addi %mul3A_53, %add3A_54 : i32
    %sub3A_56 = arith.constant 2047 : i32
    %sub3A_57 = arith.subi %sub3A_56, %add3A_55 : i32
    %sub3A_58 = arith.constant 4 : i32
    %sub3A_59 = arith.subi %sub3A_57, %sub3A_58 : i32
    %get3A_60 = arith.constant 4 : index
    %get3A_61 = arith.index_cast %sub3A_59 : i32 to index
    %get3A_62 = arith.constant 0 : index
    %get3A_63 = vector.load %arg1[%get3A_60, %get3A_61, %get3A_62] : memref<8x4088x64xf32, #tpu.memory_space<vmem>>, vector<1x2048x64xf32>
    %get3A_64 = vector.shape_cast %get3A_63 : vector<1x2048x64xf32> to vector<2048x64xf32>
    %swap3A_65 = arith.constant 3 : index
    %swap3A_66 = arith.constant 0 : index
    %swap3A_67 = arith.constant 0 : index
    %swap3A_68 = vector.load %arg2[%swap3A_65, %swap3A_66, %swap3A_67] : memref<16x2048x64xf32, #tpu.memory_space<vmem>>, vector<1x2048x64xf32>
    %swap3A_69 = vector.shape_cast %swap3A_68 : vector<1x2048x64xf32> to vector<2048x64xf32>
    %swap3A_70 = vector.shape_cast %get3A_64 : vector<2048x64xf32> to vector<1x2048x64xf32>
    tpu.vector_store %arg2[%swap3A_65, %swap3A_66, %swap3A_67], %swap3A_70 {strides = array<i32>} : memref<16x2048x64xf32, #tpu.memory_space<vmem>>, vector<1x2048x64xf32>,
    %mul3A_71 = arith.constant 16 : i32
    %mul3A_72 = arith.muli %arg0, %mul3A_71 : i32
    %add3A_73 = arith.constant 4 : i32
    %add3A_74 = arith.addi %mul3A_72, %add3A_73 : i32
    %sub3A_75 = arith.constant 2047 : i32
    %sub3A_76 = arith.subi %sub3A_75, %add3A_74 : i32
    %sub3A_77 = arith.constant 3 : i32
    %sub3A_78 = arith.subi %sub3A_76, %sub3A_77 : i32
    %get3A_79 = arith.constant 3 : index
    %get3A_80 = arith.index_cast %sub3A_78 : i32 to index
    %get3A_81 = arith.constant 0 : index
    %get3A_82 = vector.load %arg1[%get3A_79, %get3A_80, %get3A_81] : memref<8x4088x64xf32, #tpu.memory_space<vmem>>, vector<1x2048x64xf32>
    %get3A_83 = vector.shape_cast %get3A_82 : vector<1x2048x64xf32> to vector<2048x64xf32>
    %swap3A_84 = arith.constant 4 : index
    %swap3A_85 = arith.constant 0 : index
    %swap3A_86 = arith.constant 0 : index
    %swap3A_87 = vector.load %arg2[%swap3A_84, %swap3A_85, %swap3A_86] : memref<16x2048x64xf32, #tpu.memory_space<vmem>>, vector<1x2048x64xf32>
    %swap3A_88 = vector.shape_cast %swap3A_87 : vector<1x2048x64xf32> to vector<2048x64xf32>
    %swap3A_89 = vector.shape_cast %get3A_83 : vector<2048x64xf32> to vector<1x2048x64xf32>
    tpu.vector_store %arg2[%swap3A_84, %swap3A_85, %swap3A_86], %swap3A_89 {strides = array<i32>} : memref<16x2048x64xf32, #tpu.memory_space<vmem>>, vector<1x2048x64xf32>,
    %mul3A_90 = arith.constant 16 : i32
    %mul3A_91 = arith.muli %arg0, %mul3A_90 : i32
    %add3A_92 = arith.constant 5 : i32
    %add3A_93 = arith.addi %mul3A_91, %add3A_92 : i32
    %sub3A_94 = arith.constant 2047 : i32
    %sub3A_95 = arith.subi %sub3A_94, %add3A_93 : i32
    %sub3A_96 = arith.constant 2 : i32
    %sub3A_97 = arith.subi %sub3A_95, %sub3A_96 : i32
    %get3A_98 = arith.constant 2 : index
    %get3A_99 = arith.index_cast %sub3A_97 : i32 to index
    %get3A_100 = arith.constant 0 : index
    %get3A_101 = vector.load %arg1[%get3A_98, %get3A_99, %get3A_100] : memref<8x4088x64xf32, #tpu.memory_space<vmem>>, vector<1x2048x64xf32>
    %get3A_102 = vector.shape_cast %get3A_101 : vector<1x2048x64xf32> to vector<2048x64xf32>
    %swap3A_103 = arith.constant 5 : index
    %swap3A_104 = arith.constant 0 : index
    %swap3A_105 = arith.constant 0 : index
    %swap3A_106 = vector.load %arg2[%swap3A_103, %swap3A_104, %swap3A_105] : memref<16x2048x64xf32, #tpu.memory_space<vmem>>, vector<1x2048x64xf32>
    %swap3A_107 = vector.shape_cast %swap3A_106 : vector<1x2048x64xf32> to vector<2048x64xf32>
    %swap3A_108 = vector.shape_cast %get3A_102 : vector<2048x64xf32> to vector<1x2048x64xf32>
    tpu.vector_store %arg2[%swap3A_103, %swap3A_104, %swap3A_105], %swap3A_108 {strides = array<i32>} : memref<16x2048x64xf32, #tpu.memory_space<vmem>>, vector<1x2048x64xf32>,
    %mul3A_109 = arith.constant 16 : i32
    %mul3A_110 = arith.muli %arg0, %mul3A_109 : i32
    %add3A_111 = arith.constant 6 : i32
    %add3A_112 = arith.addi %mul3A_110, %add3A_111 : i32
    %sub3A_113 = arith.constant 2047 : i32
    %sub3A_114 = arith.subi %sub3A_113, %add3A_112 : i32
    %sub3A_115 = arith.constant 1 : i32
    %sub3A_116 = arith.subi %sub3A_114, %sub3A_115 : i32
    %get3A_117 = arith.constant 1 : index
    %get3A_118 = arith.index_cast %sub3A_116 : i32 to index
    %get3A_119 = arith.constant 0 : index
    %get3A_120 = vector.load %arg1[%get3A_117, %get3A_118, %get3A_119] : memref<8x4088x64xf32, #tpu.memory_space<vmem>>, vector<1x2048x64xf32>
    %get3A_121 = vector.shape_cast %get3A_120 : vector<1x2048x64xf32> to vector<2048x64xf32>
    %swap3A_122 = arith.constant 6 : index
    %swap3A_123 = arith.constant 0 : index
    %swap3A_124 = arith.constant 0 : index
    %swap3A_125 = vector.load %arg2[%swap3A_122, %swap3A_123, %swap3A_124] : memref<16x2048x64xf32, #tpu.memory_space<vmem>>, vector<1x2048x64xf32>
    %swap3A_126 = vector.shape_cast %swap3A_125 : vector<1x2048x64xf32> to vector<2048x64xf32>
    %swap3A_127 = vector.shape_cast %get3A_121 : vector<2048x64xf32> to vector<1x2048x64xf32>
    tpu.vector_store %arg2[%swap3A_122, %swap3A_123, %swap3A_124], %swap3A_127 {strides = array<i32>} : memref<16x2048x64xf32, #tpu.memory_space<vmem>>, vector<1x2048x64xf32>,
    %mul3A_128 = arith.constant 16 : i32
    %mul3A_129 = arith.muli %arg0, %mul3A_128 : i32
    %add3A_130 = arith.constant 7 : i32
    %add3A_131 = arith.addi %mul3A_129, %add3A_130 : i32
    %sub3A_132 = arith.constant 2047 : i32
    %sub3A_133 = arith.subi %sub3A_132, %add3A_131 : i32
    %sub3A_134 = arith.constant 0 : i32
    %sub3A_135 = arith.subi %sub3A_133, %sub3A_134 : i32
    %get3A_136 = arith.constant 0 : index
    %get3A_137 = arith.index_cast %sub3A_135 : i32 to index
    %get3A_138 = arith.constant 0 : index
    %get3A_139 = vector.load %arg1[%get3A_136, %get3A_137, %get3A_138] : memref<8x4088x64xf32, #tpu.memory_space<vmem>>, vector<1x2048x64xf32>
    %get3A_140 = vector.shape_cast %get3A_139 : vector<1x2048x64xf32> to vector<2048x64xf32>
    %swap3A_141 = arith.constant 7 : index
    %swap3A_142 = arith.constant 0 : index
    %swap3A_143 = arith.constant 0 : index
    %swap3A_144 = vector.load %arg2[%swap3A_141, %swap3A_142, %swap3A_143] : memref<16x2048x64xf32, #tpu.memory_space<vmem>>, vector<1x2048x64xf32>
    %swap3A_145 = vector.shape_cast %swap3A_144 : vector<1x2048x64xf32> to vector<2048x64xf32>
    %swap3A_146 = vector.shape_cast %get3A_140 : vector<2048x64xf32> to vector<1x2048x64xf32>
    tpu.vector_store %arg2[%swap3A_141, %swap3A_142, %swap3A_143], %swap3A_146 {strides = array<i32>} : memref<16x2048x64xf32, #tpu.memory_space<vmem>>, vector<1x2048x64xf32>,
    %mul3A_147 = arith.constant 16 : i32
    %mul3A_148 = arith.muli %arg0, %mul3A_147 : i32
    %add3A_149 = arith.constant 8 : i32
    %add3A_150 = arith.addi %mul3A_148, %add3A_149 : i32
    %sub3A_151 = arith.constant 2047 : i32
    %sub3A_152 = arith.subi %sub3A_151, %add3A_150 : i32
    %sub3A_153 = arith.constant 7 : i32
    %sub3A_154 = arith.subi %sub3A_152, %sub3A_153 : i32
    %get3A_155 = arith.constant 7 : index
    %get3A_156 = arith.index_cast %sub3A_154 : i32 to index
    %get3A_157 = arith.constant 0 : index
    %get3A_158 = vector.load %arg1[%get3A_155, %get3A_156, %get3A_157] : memref<8x4088x64xf32, #tpu.memory_space<vmem>>, vector<1x2048x64xf32>
    %get3A_159 = vector.shape_cast %get3A_158 : vector<1x2048x64xf32> to vector<2048x64xf32>
    %swap3A_160 = arith.constant 8 : index
    %swap3A_161 = arith.constant 0 : index
    %swap3A_162 = arith.constant 0 : index
    %swap3A_163 = vector.load %arg2[%swap3A_160, %swap3A_161, %swap3A_162] : memref<16x2048x64xf32, #tpu.memory_space<vmem>>, vector<1x2048x64xf32>
    %swap3A_164 = vector.shape_cast %swap3A_163 : vector<1x2048x64xf32> to vector<2048x64xf32>
    %swap3A_165 = vector.shape_cast %get3A_159 : vector<2048x64xf32> to vector<1x2048x64xf32>
    tpu.vector_store %arg2[%swap3A_160, %swap3A_161, %swap3A_162], %swap3A_165 {strides = array<i32>} : memref<16x2048x64xf32, #tpu.memory_space<vmem>>, vector<1x2048x64xf32>,
    %mul3A_166 = arith.constant 16 : i32
    %mul3A_167 = arith.muli %arg0, %mul3A_166 : i32
    %add3A_168 = arith.constant 9 : i32
    %add3A_169 = arith.addi %mul3A_167, %add3A_168 : i32
    %sub3A_170 = arith.constant 2047 : i32
    %sub3A_171 = arith.subi %sub3A_170, %add3A_169 : i32
    %sub3A_172 = arith.constant 6 : i32
    %sub3A_173 = arith.subi %sub3A_171, %sub3A_172 : i32
    %get3A_174 = arith.constant 6 : index
    %get3A_175 = arith.index_cast %sub3A_173 : i32 to index
    %get3A_176 = arith.constant 0 : index
    %get3A_177 = vector.load %arg1[%get3A_174, %get3A_175, %get3A_176] : memref<8x4088x64xf32, #tpu.memory_space<vmem>>, vector<1x2048x64xf32>
    %get3A_178 = vector.shape_cast %get3A_177 : vector<1x2048x64xf32> to vector<2048x64xf32>
    %swap3A_179 = arith.constant 9 : index
    %swap3A_180 = arith.constant 0 : index
    %swap3A_181 = arith.constant 0 : index
    %swap3A_182 = vector.load %arg2[%swap3A_179, %swap3A_180, %swap3A_181] : memref<16x2048x64xf32, #tpu.memory_space<vmem>>, vector<1x2048x64xf32>
    %swap3A_183 = vector.shape_cast %swap3A_182 : vector<1x2048x64xf32> to vector<2048x64xf32>
    %swap3A_184 = vector.shape_cast %get3A_178 : vector<2048x64xf32> to vector<1x2048x64xf32>
    tpu.vector_store %arg2[%swap3A_179, %swap3A_180, %swap3A_181], %swap3A_184 {strides = array<i32>} : memref<16x2048x64xf32, #tpu.memory_space<vmem>>, vector<1x2048x64xf32>,
    %mul3A_185 = arith.constant 16 : i32
    %mul3A_186 = arith.muli %arg0, %mul3A_185 : i32
    %add3A_187 = arith.constant 10 : i32
    %add3A_188 = arith.addi %mul3A_186, %add3A_187 : i32
    %sub3A_189 = arith.constant 2047 : i32
    %sub3A_190 = arith.subi %sub3A_189, %add3A_188 : i32
    %sub3A_191 = arith.constant 5 : i32
    %sub3A_192 = arith.subi %sub3A_190, %sub3A_191 : i32
    %get3A_193 = arith.constant 5 : index
    %get3A_194 = arith.index_cast %sub3A_192 : i32 to index
    %get3A_195 = arith.constant 0 : index
    %get3A_196 = vector.load %arg1[%get3A_193, %get3A_194, %get3A_195] : memref<8x4088x64xf32, #tpu.memory_space<vmem>>, vector<1x2048x64xf32>
    %get3A_197 = vector.shape_cast %get3A_196 : vector<1x2048x64xf32> to vector<2048x64xf32>
    %swap3A_198 = arith.constant 10 : index
    %swap3A_199 = arith.constant 0 : index
    %swap3A_200 = arith.constant 0 : index
    %swap3A_201 = vector.load %arg2[%swap3A_198, %swap3A_199, %swap3A_200] : memref<16x2048x64xf32, #tpu.memory_space<vmem>>, vector<1x2048x64xf32>
    %swap3A_202 = vector.shape_cast %swap3A_201 : vector<1x2048x64xf32> to vector<2048x64xf32>
    %swap3A_203 = vector.shape_cast %get3A_197 : vector<2048x64xf32> to vector<1x2048x64xf32>
    tpu.vector_store %arg2[%swap3A_198, %swap3A_199, %swap3A_200], %swap3A_203 {strides = array<i32>} : memref<16x2048x64xf32, #tpu.memory_space<vmem>>, vector<1x2048x64xf32>,
    %mul3A_204 = arith.constant 16 : i32
    %mul3A_205 = arith.muli %arg0, %mul3A_204 : i32
    %add3A_206 = arith.constant 11 : i32
    %add3A_207 = arith.addi %mul3A_205, %add3A_206 : i32
    %sub3A_208 = arith.constant 2047 : i32
    %sub3A_209 = arith.subi %sub3A_208, %add3A_207 : i32
    %sub3A_210 = arith.constant 4 : i32
    %sub3A_211 = arith.subi %sub3A_209, %sub3A_210 : i32
    %get3A_212 = arith.constant 4 : index
    %get3A_213 = arith.index_cast %sub3A_211 : i32 to index
    %get3A_214 = arith.constant 0 : index
    %get3A_215 = vector.load %arg1[%get3A_212, %get3A_213, %get3A_214] : memref<8x4088x64xf32, #tpu.memory_space<vmem>>, vector<1x2048x64xf32>
    %get3A_216 = vector.shape_cast %get3A_215 : vector<1x2048x64xf32> to vector<2048x64xf32>
    %swap3A_217 = arith.constant 11 : index
    %swap3A_218 = arith.constant 0 : index
    %swap3A_219 = arith.constant 0 : index
    %swap3A_220 = vector.load %arg2[%swap3A_217, %swap3A_218, %swap3A_219] : memref<16x2048x64xf32, #tpu.memory_space<vmem>>, vector<1x2048x64xf32>
    %swap3A_221 = vector.shape_cast %swap3A_220 : vector<1x2048x64xf32> to vector<2048x64xf32>
    %swap3A_222 = vector.shape_cast %get3A_216 : vector<2048x64xf32> to vector<1x2048x64xf32>
    tpu.vector_store %arg2[%swap3A_217, %swap3A_218, %swap3A_219], %swap3A_222 {strides = array<i32>} : memref<16x2048x64xf32, #tpu.memory_space<vmem>>, vector<1x2048x64xf32>,
    %mul3A_223 = arith.constant 16 : i32
    %mul3A_224 = arith.muli %arg0, %mul3A_223 : i32
    %add3A_225 = arith.constant 12 : i32
    %add3A_226 = arith.addi %mul3A_224, %add3A_225 : i32
    %sub3A_227 = arith.constant 2047 : i32
    %sub3A_228 = arith.subi %sub3A_227, %add3A_226 : i32
    %sub3A_229 = arith.constant 3 : i32
    %sub3A_230 = arith.subi %sub3A_228, %sub3A_229 : i32
    %get3A_231 = arith.constant 3 : index
    %get3A_232 = arith.index_cast %sub3A_230 : i32 to index
    %get3A_233 = arith.constant 0 : index
    %get3A_234 = vector.load %arg1[%get3A_231, %get3A_232, %get3A_233] : memref<8x4088x64xf32, #tpu.memory_space<vmem>>, vector<1x2048x64xf32>
    %get3A_235 = vector.shape_cast %get3A_234 : vector<1x2048x64xf32> to vector<2048x64xf32>
    %swap3A_236 = arith.constant 12 : index
    %swap3A_237 = arith.constant 0 : index
    %swap3A_238 = arith.constant 0 : index
    %swap3A_239 = vector.load %arg2[%swap3A_236, %swap3A_237, %swap3A_238] : memref<16x2048x64xf32, #tpu.memory_space<vmem>>, vector<1x2048x64xf32>
    %swap3A_240 = vector.shape_cast %swap3A_239 : vector<1x2048x64xf32> to vector<2048x64xf32>
    %swap3A_241 = vector.shape_cast %get3A_235 : vector<2048x64xf32> to vector<1x2048x64xf32>
    tpu.vector_store %arg2[%swap3A_236, %swap3A_237, %swap3A_238], %swap3A_241 {strides = array<i32>} : memref<16x2048x64xf32, #tpu.memory_space<vmem>>, vector<1x2048x64xf32>,
    %mul3A_242 = arith.constant 16 : i32
    %mul3A_243 = arith.muli %arg0, %mul3A_242 : i32
    %add3A_244 = arith.constant 13 : i32
    %add3A_245 = arith.addi %mul3A_243, %add3A_244 : i32
    %sub3A_246 = arith.constant 2047 : i32
    %sub3A_247 = arith.subi %sub3A_246, %add3A_245 : i32
    %sub3A_248 = arith.constant 2 : i32
    %sub3A_249 = arith.subi %sub3A_247, %sub3A_248 : i32
    %get3A_250 = arith.constant 2 : index
    %get3A_251 = arith.index_cast %sub3A_249 : i32 to index
    %get3A_252 = arith.constant 0 : index
    %get3A_253 = vector.load %arg1[%get3A_250, %get3A_251, %get3A_252] : memref<8x4088x64xf32, #tpu.memory_space<vmem>>, vector<1x2048x64xf32>
    %get3A_254 = vector.shape_cast %get3A_253 : vector<1x2048x64xf32> to vector<2048x64xf32>
    %swap3A_255 = arith.constant 13 : index
    %swap3A_256 = arith.constant 0 : index
    %swap3A_257 = arith.constant 0 : index
    %swap3A_258 = vector.load %arg2[%swap3A_255, %swap3A_256, %swap3A_257] : memref<16x2048x64xf32, #tpu.memory_space<vmem>>, vector<1x2048x64xf32>
    %swap3A_259 = vector.shape_cast %swap3A_258 : vector<1x2048x64xf32> to vector<2048x64xf32>
    %swap3A_260 = vector.shape_cast %get3A_254 : vector<2048x64xf32> to vector<1x2048x64xf32>
    tpu.vector_store %arg2[%swap3A_255, %swap3A_256, %swap3A_257], %swap3A_260 {strides = array<i32>} : memref<16x2048x64xf32, #tpu.memory_space<vmem>>, vector<1x2048x64xf32>,
    %mul3A_261 = arith.constant 16 : i32
    %mul3A_262 = arith.muli %arg0, %mul3A_261 : i32
    %add3A_263 = arith.constant 14 : i32
    %add3A_264 = arith.addi %mul3A_262, %add3A_263 : i32
    %sub3A_265 = arith.constant 2047 : i32
    %sub3A_266 = arith.subi %sub3A_265, %add3A_264 : i32
    %sub3A_267 = arith.constant 1 : i32
    %sub3A_268 = arith.subi %sub3A_266, %sub3A_267 : i32
    %get3A_269 = arith.constant 1 : index
    %get3A_270 = arith.index_cast %sub3A_268 : i32 to index
    %get3A_271 = arith.constant 0 : index
    %get3A_272 = vector.load %arg1[%get3A_269, %get3A_270, %get3A_271] : memref<8x4088x64xf32, #tpu.memory_space<vmem>>, vector<1x2048x64xf32>
    %get3A_273 = vector.shape_cast %get3A_272 : vector<1x2048x64xf32> to vector<2048x64xf32>
    %swap3A_274 = arith.constant 14 : index
    %swap3A_275 = arith.constant 0 : index
    %swap3A_276 = arith.constant 0 : index
    %swap3A_277 = vector.load %arg2[%swap3A_274, %swap3A_275, %swap3A_276] : memref<16x2048x64xf32, #tpu.memory_space<vmem>>, vector<1x2048x64xf32>
    %swap3A_278 = vector.shape_cast %swap3A_277 : vector<1x2048x64xf32> to vector<2048x64xf32>
    %swap3A_279 = vector.shape_cast %get3A_273 : vector<2048x64xf32> to vector<1x2048x64xf32>
    tpu.vector_store %arg2[%swap3A_274, %swap3A_275, %swap3A_276], %swap3A_279 {strides = array<i32>} : memref<16x2048x64xf32, #tpu.memory_space<vmem>>, vector<1x2048x64xf32>,
    %mul3A_280 = arith.constant 16 : i32
    %mul3A_281 = arith.muli %arg0, %mul3A_280 : i32
    %add3A_282 = arith.constant 15 : i32
    %add3A_283 = arith.addi %mul3A_281, %add3A_282 : i32
    %sub3A_284 = arith.constant 2047 : i32
    %sub3A_285 = arith.subi %sub3A_284, %add3A_283 : i32
    %sub3A_286 = arith.constant 0 : i32
    %sub3A_287 = arith.subi %sub3A_285, %sub3A_286 : i32
    %get3A_288 = arith.constant 0 : index
    %get3A_289 = arith.index_cast %sub3A_287 : i32 to index
    %get3A_290 = arith.constant 0 : index
    %get3A_291 = vector.load %arg1[%get3A_288, %get3A_289, %get3A_290] : memref<8x4088x64xf32, #tpu.memory_space<vmem>>, vector<1x2048x64xf32>
    %get3A_292 = vector.shape_cast %get3A_291 : vector<1x2048x64xf32> to vector<2048x64xf32>
    %swap3A_293 = arith.constant 15 : index
    %swap3A_294 = arith.constant 0 : index
    %swap3A_295 = arith.constant 0 : index
    %swap3A_296 = vector.load %arg2[%swap3A_293, %swap3A_294, %swap3A_295] : memref<16x2048x64xf32, #tpu.memory_space<vmem>>, vector<1x2048x64xf32>
    %swap3A_297 = vector.shape_cast %swap3A_296 : vector<1x2048x64xf32> to vector<2048x64xf32>
    %swap3A_298 = vector.shape_cast %get3A_292 : vector<2048x64xf32> to vector<1x2048x64xf32>
    tpu.vector_store %arg2[%swap3A_293, %swap3A_294, %swap3A_295], %swap3A_298 {strides = array<i32>} : memref<16x2048x64xf32, #tpu.memory_space<vmem>>, vector<1x2048x64xf32>,
    return
  }
  func.func @transform_0(%arg0: i32) -> (i32, i32, i32) {
    %c0_i32 = arith.constant 0 : i32
    %c0_i32_0 = arith.constant 0 : i32
    %c0_i32_1 = arith.constant 0 : i32
    %c0_i32_2 = arith.constant 0 : i32
    return %c0_i32, %c0_i32_0, %c0_i32_1 : i32, i32, i32
  }
  func.func @transform_1(%arg0: i32) -> (i32, i32, i32) {
    %c0_i32 = arith.constant 0 : i32
    %c0_i32_0 = arith.constant 0 : i32
    %c0_i32_1 = arith.constant 0 : i32
    return %arg0, %c0_i32, %c0_i32_0 : i32, i32, i32
  }
}

</mosaic_0001>

<sc_bundles>
// kernel: kernel.4.cloned.1.call-start
scs
__scs_entry_jumppad:
0x0: {  	(pc) =	sbr.rel $0x88, $3  }
0x1: {  	(tag) =	ssettag $0x0;
	lr =	simm.s32 $0x1  }
0x2: {  	[smem:$0x3FA0] =	sst lr;
	_ =	strace $0xD0000000  }
0x3: {  	_ = 	snop  }
0x4: {  	_ = 	snop  }
0x5: {  	_ = 	snop  }
0x6: {  	_ = 	snop  }
0x7: {  	_ = 	snop  }
__scs_overlays_trampoline_lowered:
0x8: {  	[smem:$0x3FAF] =	sst s0  }
0x9: {  	[smem:$0x3FB0] =	sst s1  }
0xa: {  	[smem:$0x3FB1] =	sst s2  }
0xb: {  	[smem:$0x3FB2] =	sst s3  }
0xc: {  	[smem:$0x3FB3] =	sst s4  }
0xd: {  	[smem:$0x3FB4] =	sst s5  }
0xe: {  	[smem:$0x3FB5] =	sst s6  }
0xf: {  	[smem:$0x3FB6] =	sst s7  }
0x10: {  	[smem:$0x3FB7] =	sst s8  }
0x11: {  	[smem:$0x3FB8] =	sst s9;
	s0 =	simm.s32 @!p0 $0x0  }
0x12: {  	s1 =	sld [smem:$0x3F9E];
	s0 =	simm.s32 @p0 $0x1  }
0x13: {  	[smem:$0x3FB9] =	sst s0;
	s0 =	simm.s32 @!p1 $0x0  }
0x14: {  	s2 =	sld [smem:$0x3F9D];
	s0 =	simm.s32 @p1 $0x1  }
0x15: {  	[smem:$0x3FBA] =	sst s0;
	s0 =	simm.s32 @!p2 $0x0  }
0x16: {  	s3 =	sld [smem:$0x3FDB];
	s0 =	simm.s32 @p2 $0x1  }
0x17: {  	s4 =	simm.s32 $0x1BF5;
	[smem:$0x3FBC] =	sst s0  }
0x18: {  	s0 =	sld [smem:$0x3F9F];
	_ =	swait.ge [sflag:s4], $0x0  }
0x19: {  	s7 =	sld [smem:$0x3FA0]  }
0x1a: {  	s8 =	sadd.s32 $0xFFFFE003, lr  }
0x1b: {  	s9 =	sadd.s32 $0xFFFFFEF7, lr;
	s5 =	simm.s32 $0xFFFFFFFF;
	p2 =	slt.u32 s8, $0xFFFFF086  }
0x1c: {  	p1 =	slt.u32 s9, $0xF7A;
	s5 =	simm.s32 @!p2 $0x0  }
0x1d: {  	s5 =	simm.s32 @p1 $0x1;
	p0 =	seq.s32 s7, s2  }
0x1e: {  	s7 =	smul.u32 @!p0 $0xF7A, s2;
	p2 =	seq.s32 @!p0 s5, $0x0  }
0x1f: {  	s9 =	smul.u32 $0xF7A, s1;
	s8 =	simm.s32 @!p0 $0x1BF5;
	p2 =	por !p2, p0  }
0x20: {  	[sflag:s8] =	ssyncset.s32 @!p0 $0xFFFFF086;
	s6 =	sadd.s32 @!p0 s3, s7;
	s7 =	simm.s32 @!p0 $0x108  }
0x21: {  	s3 =	sadd.s32 s3, s9;
	s6 =	sadd.s32 @!p0 $0x88, s6;
	s7 =	simm.s32 @p2 $0x1082  }
0x22: {  	[simem:s7], [sflag:s8] =	dma.local @!p0 [hbm:s6], $0xF7A  }
0x23: {  	s9 =	sor.u32 $0xD0000000, s2;
	s6 =	simm.s32 $0x108;
	_ =	swait.ge @!p0 [sflag:s8], $0x0  }
0x24: {  	s3 =	sadd.s32 $0x88, s3;
	s6 =	simm.s32 @!p1 $0x1082;
	[sflag:s4] =	ssyncset.s32 $0xFFFFF086  }
0x25: {  	[simem:s6], [sflag:s4] =	dma.local [hbm:s3], $0xF7A  }
0x26: {  	[smem:$0x3FA0] =	sst s1;
	(tag) =	ssettag s2;
	_ =	strace s9  }
0x27: {  	s1 =	sld [smem:$0x3FB0]  }
0x28: {  	s2 =	sld [smem:$0x3FB1]  }
0x29: {  	s4 =	sld [smem:$0x3FB3]  }
0x2a: {  	p0 =	seq.s32 s5, $0x0;
	s5 =	sld [smem:$0x3FB4]  }
0x2b: {  	s6 =	sld [smem:$0x3FB5]  }
0x2c: {  	s7 =	sld [smem:$0x3FB6]  }
0x2d: {  	s3 =	simm.s32 $0x108;
	s8 =	sld [smem:$0x3FB7]  }
0x2e: {  	s3 =	simm.s32 @!p0 $0x1082;
	s9 =	sld [smem:$0x3FB8]  }
0x2f: {  	lr =	sadd.s32 s0, s3;
	s0 =	sld [smem:$0x3FAF]  }
0x30: {  	s3 =	sld [smem:$0x3FB2]  }
0x31: {  	[smem:$0x3FBB] =	sst s10  }
0x32: {  	s10 =	sld [smem:$0x3FB9];
	_ =	sdelay $0x3  }
0x33: {  	p0 =	seq.s32 s10, $0x1;
	s10 =	sld [smem:$0x3FBB];
	_ =	sdelay $0x3  }
0x34: {  	[smem:$0x3FBB] =	sst s10  }
0x35: {  	s10 =	sld [smem:$0x3FBA];
	_ =	sdelay $0x3  }
0x36: {  	p1 =	seq.s32 s10, $0x1;
	s10 =	sld [smem:$0x3FBB];
	_ =	sdelay $0x3  }
0x37: {  	[smem:$0x3FBB] =	sst s10  }
0x38: {  	s10 =	sld [smem:$0x3FBC]  }
0x39: {  	_ = 	snop;
	(pc) =	sbr.ind lr, $3  }
0x3a: {  	_ = 	snop  }
0x3b: {  	_ = 	snop  }
0x3c: {  	p2 =	seq.s32 s10, $0x1;
	s10 =	sld [smem:$0x3FBB]  }
0x3d: {  	_ =	shalt  }
0x3e: {  	_ =	shalt  }
0x3f: {  	_ =	shalt  }
0x40: {  	_ =	shalt  }
0x41: {  	_ =	shalt  }
0x42: {  	_ =	shalt  }
0x43: {  	_ =	shalt  }
0x44: {  	_ =	shalt  }
0x45: {  	_ =	shalt  }
0x46: {  	_ =	shalt  }
0x47: {  	_ =	shalt  }
0x48: {  	_ =	shalt  }
0x49: {  	_ =	shalt  }
0x4a: {  	_ =	shalt  }
0x4b: {  	_ =	shalt  }
0x4c: {  	_ =	shalt  }
0x4d: {  	_ =	shalt  }
0x4e: {  	_ =	shalt  }
0x4f: {  	_ =	shalt  }
0x50: {  	_ =	shalt  }
0x51: {  	_ =	shalt  }
0x52: {  	_ =	shalt  }
0x53: {  	_ =	shalt  }
0x54: {  	_ =	shalt  }
0x55: {  	_ =	shalt  }
0x56: {  	_ =	shalt  }
0x57: {  	_ =	shalt  }
0x58: {  	_ =	shalt  }
0x59: {  	_ =	shalt  }
0x5a: {  	_ =	shalt  }
0x5b: {  	_ =	shalt  }
0x5c: {  	_ =	shalt  }
0x5d: {  	_ =	shalt  }
0x5e: {  	_ =	shalt  }
0x5f: {  	_ =	shalt  }
0x60: {  	_ =	shalt  }
0x61: {  	_ =	shalt  }
0x62: {  	_ =	shalt  }
0x63: {  	_ =	shalt  }
0x64: {  	_ =	shalt  }
0x65: {  	_ =	shalt  }
0x66: {  	_ =	shalt  }
0x67: {  	_ =	shalt  }
0x68: {  	_ =	shalt  }
0x69: {  	_ =	shalt  }
0x6a: {  	_ =	shalt  }
0x6b: {  	_ =	shalt  }
0x6c: {  	_ =	shalt  }
0x6d: {  	_ =	shalt  }
0x6e: {  	_ =	shalt  }
0x6f: {  	_ =	shalt  }
0x70: {  	_ =	shalt  }
0x71: {  	_ =	shalt  }
0x72: {  	_ =	shalt  }
0x73: {  	_ =	shalt  }
0x74: {  	_ =	shalt  }
0x75: {  	_ =	shalt  }
0x76: {  	_ =	shalt  }
0x77: {  	_ =	shalt  }
0x78: {  	_ =	shalt  }
0x79: {  	_ =	shalt  }
0x7a: {  	_ =	shalt  }
0x7b: {  	_ =	shalt  }
0x7c: {  	_ =	shalt  }
0x7d: {  	_ =	shalt  }
0x7e: {  	_ =	shalt  }
0x7f: {  	_ =	shalt  }
0x80: {  	_ =	shalt  }
0x81: {  	_ =	shalt  }
0x82: {  	_ =	shalt  }
0x83: {  	_ =	shalt  }
0x84: {  	_ =	shalt  }
0x85: {  	_ =	shalt  }
0x86: {  	_ =	shalt  }
0x87: {  	_ =	shalt  }
.Lfunc_end0:
.L_simem_size_0:
called_computation_lowered:
.L_overlay_start_0:
0x88: {  	s2 =	sld [smem:$0x3FD9]  }
0x89: {  	s3 =	sld [smem:$0x3FFE];
	_ =	sdelay $0x1  }
0x8a: {  	s1 =	srdreg.scid  }
0x8b: {  	s0 =	sand.u32 $0x1, s1  }
0x8c: {  	s17 =	sshll.u32 s0, $0xA;
	s2 =	sadd.s32 s3, s2  }
0x8d: {  	s2 =	sadd.s32 s2, s17  }
0x8e: {  	[smem:$0x3FC7] =	sst s2  }
0x8f: {  	_ = 	snop  }
0x90: {  	s2 =	sld [smem:$0x3FD0];
	(tm) =	ssettm $0x1  }
0x91: {  	s18 =	sld [smem:$0x3FFB];
	_ =	sdelay $0x3  }
0x92: {  	_ =	strace s18  }
0x93: {  	s3 =	sld [smem:$0x3FFC];
	_ =	sdelay $0x3  }
0x94: {  	_ =	strace s3  }
0x95: {  	s3 =	sld [smem:$0x3FFD];
	_ =	sdelay $0x3  }
0x96: {  	_ =	strace s3  }
0x97: {  	_ =	strace $0x8FFFFFFF  }
0x98: {  	s19 =	sld [smem:$0x3FDB];
	_ =	sdelay $0x1  }
0x99: {  	s4 =	simm.s32 $_scs_section_size  }
0x9a: {  	s5 =	simm.s32 $_size__tile_overlayer_lowered;
	s6 =	simm.s32 $_tile_overlayer_lowered  }
0x9b: {  	s22 =	simm.s32 $0x1BFF;
	s21 =	sshll.u32 s6, $0x1;
	s3 =	sadd.s32 s4, s19  }
0x9c: {  	s7 =	simm.s32 $0x0;
	s20 =	sshll.u32 s5, $0x1;
	s5 =	sadd.s32 s21, s3  }
0x9d: {  	[timem:s7], [sflag:s22] =	dma.local [hbm:s5], s20  }
0x9e: {  	_ =	swait.ge [sflag:s22], s20  }
0x9f: {  	s4 =	ssub.s32 $0x0, s20;
	[sflag:s22] =	ssyncset.done $0x0  }
0xa0: {  	[sflag:s22] =	ssyncadd.s32 s4;
	_ =	sdelay $0x1  }
0xa1: {  	s23 =	simm.s32 $0x1B8B  }
0xa2: {  	_ =	swait.ge [sflag:s23], $0x1  }
0xa3: {  	[sflag:s23] =	ssyncset.done $0x0  }
0xa4: {  	s25 =	simm.s32 $0x1B8E;
	s24 =	sld [smem:$0x3FFE];
	[sflag:s23] =	ssyncadd.s32 $0xFFFFFFFF  }
0xa5: {  	s26 =	simm.s32 $execute0_lowered;
	[smem:$0x3FD2] =	sst s25  }
0xa6: {  	s5 =	sshll.u32 s26, $0x1;
	_ =	strace $0x80000046;
	[dreg:$0x1] =	wrdreg $0xFFFFFFFF  }
0xa7: {  	s28 =	simm.s32 $_size_execute0_lowered;
	s3 =	sadd.s32 s3, s5;
	[dreg:$0x0] =	wrdreg $0x0  }
0xa8: {  	s5 =	sshll.u32 s28, $0x1;
	[dreg:$0x2] =	wrdreg s3  }
0xa9: {  	[dreg:$0x3] =	wrdreg s5  }
0xaa: {  	[dreg:$0x4] =	wrdreg $0xC0  }
0xab: {  	_ =	task [dreg:s7], $0x5FFFF  }
0xac: {  	[dreg:$0x1] =	wrdreg $0xFFFFFFFF  }
0xad: {  	[dreg:$0x0] =	wrdreg $0x60  }
0xae: {  	[dreg:$0x2] =	wrdreg s24  }
0xaf: {  	[dreg:$0x3] =	wrdreg s2  }
0xb0: {  	[dreg:$0x4] =	wrdreg $0xC4000  }
0xb1: {  	[dreg:$0x5] =	wrdreg $0x9  }
0xb2: {  	_ =	task.clear_ibuf [dreg:s7], $0x6FFFF;
	_ =	strace $0x90000046  }
0xb3: {  	s29 =	simm.s32 $0x9;
	_ =	strace $0x80000048  }
0xb4: {  	_ =	swait.ge [sflag:s29], $0x1  }
0xb5: {  	[sflag:s29] =	ssyncadd.s32 $0xFFFFFFFF  }
0xb6: {  	_ =	strace $0x90000048  }
0xb7: {  	_ =	sfence  }
0xb8: {  	s30 =	sld [smem:$0x0];
	_ =	sdelay $0x2  }
0xb9: {  	s31 =	sshll.u32 s1, $0xD;
	s1 =	sshrl.u32 s1, $0x2  }
0xba: {  	s3 =	sand.u32 $0x4000, s31;
	s1 =	sadd.s32 s1, s30  }
0xbb: {  	s0 =	sor.u32 s3, s0;
	s1 =	sshll.u32 s1, $0x11  }
0xbc: {  	s0 =	sor.u32 s1, s0  }
0xbd: {  	s0 =	sadd.s32 $0x8F2B, s0  }
0xbe: {  	[sflag:s0] =	ssyncadd.remote.s32 $0x1  }
0xbf: {  	_ =	sfence.sel $0xFFFF  }
0xc0: {  	[dreg:$0x0] =	wrdreg $0xFFFFFFFF;
	(pc) =	sbr.abs _section_cstart, $3  }
0xc1: {  	[dreg:$0x1] =	wrdreg $0xFFFFFFFF  }
0xc2: {  	_ =	task.clear_ibuf [dreg:s7], $0x2FFFF;
	_ =	strace $0x9FFFFFFF  }
0xc3: {  	(tm) =	ssettm $0x7FFFFFFF  }
tec
execute0_lowered:
.L_overlay_start_1:
0x0: {  	(tag) =	ssettag $0x1  }
0x1: {  	s0 =	rddreg [dreg:$0x0]  }
0x2: {  	s1 =	rddreg [dreg:$0x1]  }
0x3: {  	s2 =	rddreg [dreg:$0x2];
	s3 =	simm.s32 $0x0;
	s4 =	srdreg.scid  }
0x4: {  	[smem:$0x7FF] =	sst s3;
	s9 =	sand.u32 $0x1, s4  }
0x5: {  	s5 =	sadd.s32 $0x600, s0;
	s4 =	stileid.u32;
	s8 =	sadd.s32 $0x8000, s1  }
0x6: {  	s25 =	sadd.s32 $0x3FE00, s1;
	s26 =	sadd.s32 $0x200, s2;
	s12 =	sadd.s32 $0x2FE80, s1  }
0x7: {  	s13 =	sadd.s32 $0x180, s2;
	s14 =	sadd.s32 $0x37E00, s1;
	s15 =	sadd.s32 $0x1FF00, s1  }
0x8: {  	s16 =	sadd.s32 $0x100, s2;
	s17 =	sadd.s32 $0xFF80, s1;
	s18 =	sadd.s32 $0x17F00, s1  }
0x9: {  	s19 =	sadd.s32 $0x4FD80, s1;
	s20 =	sadd.s32 $0x57D00, s1;
	s21 =	sadd.s32 $0x5FD00, s1  }
0xa: {  	s28 =	sadd.s32 $0x67C80, s1;
	s29 =	sadd.s32 $0x6FC80, s1;
	s30 =	sadd.s32 $0x380, s2  }
0xb: {  	s31 =	sadd.s32 $0x77C00, s1;
	_ =	strace $0x80000047;
	[dreg:$0x4] =	wrdreg s25  }
0xc: {  	s6 =	ssub.s32 $0x2, s9;
	s7 =	sshll.u32 s4, $0xF;
	[dreg:$0x5] =	wrdreg s26  }
0xd: {  	p2 =	seq.s32 s9, $0x0;
	p1 =	seq.s32 s4, $0x1;
	[dreg:$0x7] =	wrdreg s12  }
0xe: {  	p3 =	seq.s32 s4, $0x0;
	s10 =	sor.u32 s4, s9;
	[dreg:$0x8] =	wrdreg s13  }
0xf: {  	p4 =	seq.s32 s4, $0x2;
	p6 =	seq.s32 s4, $0x3;
	[dreg:$0x9] =	wrdreg s14  }
0x10: {  	p5 =	seq.s32 s9, $0x1;
	[dreg:$0xa] =	wrdreg s15;
	s25 =	sadd.s32 $0x27E80, s1  }
0x11: {  	s26 =	sadd.s32 $0x80, s2;
	s12 =	sadd.s32 $0x280, s2;
	s24 =	sshrl.u32 s6, $0x1  }
0x12: {  	s7 =	sadd.s32 s7, s2;
	p0 =	por !p2, !p1;
	s11 =	simm.s32 @!p4 $0x0  }
0x13: {  	p3 =	por !p3, !p5;
	[dreg:$0xb] =	wrdreg s25;
	p1 =	por !p1, !p5  }
0x14: {  	s23 =	sshrl.u32 s26, $0x3;
	s25 =	sshrl.u32 s16, $0x3;
	s0 =	ssub.s32 s6, s24  }
0x15: {  	s6 =	sshll.u32 s4, $0x8;
	p0 =	por !p0, !p0;
	s11 =	simm.s32 @p4 $0x1  }
0x16: {  	p4 =	por !p2, !p4;
	p2 =	por !p2, !p6;
	p1 =	por !p1, !p1  }
0x17: {  	s24 =	sshrl.u32 s12, $0x3;
	s12 =	simm.s32 $0x0;
	p4 =	por !p4, !p4  }
0x18: {  	[smem:$0x7F8] =	sst s11;
	p2 =	por !p2, !p2;
	s9 =	simm.s32 @!p4 $0x0  }
0x19: {  	s11 =	sadd.s32 $0x47D80, s1;
	s22 =	smax.u32 s0, $0x1;
	s9 =	simm.s32 @p4 $0x1  }
0x1a: {  	s0 =	simm.s32 @!p1 $0x0;
	[smem:$0x7F9] =	sst s9;
	s9 =	simm.s32 @!p6 $0x0  }
0x1b: {  	[dreg:$0x6] =	wrdreg s11;
	s0 =	simm.s32 @p1 $0x1;
	s9 =	simm.s32 @p6 $0x1  }
.Ltmp0:
0x1c: {  	[smem:$0x7FA] =	sst s9;
	s9 =	simm.s32 @!p2 $0x0;
	(pc) =	sbr.rel .LBB2_1-.Ltmp0, $4  }
0x1d: {  	[smem:$0x7FD] =	sst s0;
	s9 =	simm.s32 @p2 $0x1;
	p2 =	por !p3, !p3  }
0x1e: {  	s11 =	sadd.s32 $0x300, s2;
	[smem:$0x7FB] =	sst s9;
	s9 =	simm.s32 @!p2 $0x0  }
0x1f: {  	s0 =	simm.s32 $0x1;
	p6 =	sne.s32 s10, $0x0;
	s9 =	simm.s32 @p2 $0x1  }
0x20: {  	s10 =	simm.s32 $0x1C41;
	[smem:$0x7FC] =	sst s9;
	s9 =	simm.s32 $0x4400  }
.LBB2_12:
0x21: {  	s14 =	rddreg [dreg:$0x4]  }
0x22: {  	s26 =	rddreg [dreg:$0x5]  }
0x23: {  	s13 =	simm.s32 $0x1E80;
	s16 =	simm.s32 $0x0;
	s15 =	rddreg [dreg:$0x6]  }
.LBB2_19:
0x24: {  	s16 =	sshll.u32 s16, $0x6  }
0x25: {  	s26 =	sshrl.u32 s26, $0x3;
	s16 =	sor.u32 $0x1C01, s16  }
0x26: {  	[hbm:s14], [sflag:s16] =	dma.local [spmem:s26], $0xFF80  }
0x27: {  	_ =	swait.ge [sflag:s0], $0xFF80  }
0x28: {  	[sflag:s0] =	ssyncset.done $0x0  }
0x29: {  	[sflag:s0] =	ssyncadd.s32 $0xFFFF0080  }
0x2a: {  	[hbm4b:s15+s3] =	stream.linear.scatter [tilespmem:s13], [sflag:$0x1], $0x800, $0x38;
	[tilespmem:$0x10400] =	vst v63  }
0x2b: {  	_ =	swait.ge [sflag:s0], $0x800  }
0x2c: {  	[sflag:s0] =	ssyncset.done $0x0  }
0x2d: {  	[sflag:s0] =	ssyncadd.s32 $0xFFFFF800  }
.LBB2_20:
0x2e: {  	s12 =	sadd.s32 $0x1, s12  }
0x2f: {  	p1 =	sne.s32 s12, s22  }
.Ltmp1:
0x30: {  	_ = 	snop;
	(pc) =	sbr.rel @!p1 .LBB2_21-.Ltmp1, $1  }
0x31: {  	_ =	sdelay $0x3  }
.LBB2_1:
0x32: {  	[tilespmem:s3], [sflag:$0x1] =	stream.linear.gather [hbm4b:s5+s3], $0x4080, $0x38;
	[tilespmem:$0x10400] =	vst v63  }
0x33: {  	s13 =	sadd.s32 $0x0, s6  }
0x34: {  	p2 =	sgt.s32 s13, $0x7BF  }
0x35: {  	_ =	swait.ge [sflag:s0], $0x4080;
	s13 =	simm.s32 @!p2 $0x7BF  }
0x36: {  	[sflag:s0] =	ssyncset.done $0x0;
	s13 =	smin.u32 s13, $0x83F  }
0x37: {  	[sflag:s0] =	ssyncadd.s32 $0xFFFFBF80;
	s14 =	sshll.u32 s13, $0x7  }
0x38: {  	v0 =	vld [tilespmem:s14+$0xFFFC2080];
	_ =	sdelay $0x3  }
0x39: {  	s13 =	simm.s32 $0x4420  }
0x3a: {  	[tilespmem:s13+$0xFFFFFFE0] =	vst v0  }
0x3b: {  	v0 =	vld [tilespmem:s14+$0xFFFC2090];
	_ =	sdelay $0x4  }
0x3c: {  	[tilespmem:s13+$0xFFFFFFF0] =	vst v0  }
0x3d: {  	v0 =	vld [tilespmem:s14+$0xFFFC20A0];
	_ =	sdelay $0x4  }
0x3e: {  	[tilespmem:s13+$0x0] =	vst v0  }
0x3f: {  	v0 =	vld [tilespmem:s14+$0xFFFC20B0]  }
0x40: {  	s15 =	sadd.s32 $0x1, s6;
	s14 =	simm.s32 $0x2  }
.LBB2_2:
0x41: {  	p2 =	sne.s32 s14, $0xFF;
	p3 =	sgt.s32 s15, $0x7BF  }
0x42: {  	s15 =	simm.s32 @!p3 $0x7BF  }
0x43: {  	s15 =	smin.u32 s15, $0x83F  }
0x44: {  	s15 =	sshll.u32 s15, $0x7;
	[tilespmem:s13+$0x10] =	vst v0  }
0x45: {  	v0 =	vld [tilespmem:s15+$0xFFFC2080];
	_ =	sdelay $0x3  }
0x46: {  	s13 =	sadd.s32 $0x80, s13  }
0x47: {  	[tilespmem:s13+$0xFFFFFFE0] =	vst v0  }
0x48: {  	v0 =	vld [tilespmem:s15+$0xFFFC2090];
	_ =	sdelay $0x4  }
0x49: {  	[tilespmem:s13+$0xFFFFFFF0] =	vst v0  }
0x4a: {  	v0 =	vld [tilespmem:s15+$0xFFFC20A0];
	_ =	sdelay $0x2  }
.Ltmp2:
0x4b: {  	(pc) =	sbr.rel @p2 .LBB2_2-.Ltmp2, $4  }
0x4c: {  	_ = 	snop  }
0x4d: {  	[tilespmem:s13+$0x0] =	vst v0  }
0x4e: {  	v0 =	vld [tilespmem:s15+$0xFFFC20B0]  }
0x4f: {  	s15 =	sadd.s32 s14, s6;
	s14 =	sadd.s32 $0x1, s14  }
0x50: {  	p2 =	sgt.s32 s15, $0x7BF  }
0x51: {  	s15 =	simm.s32 @!p2 $0x7BF  }
0x52: {  	s14 =	smin.u32 s15, $0x83F  }
0x53: {  	s14 =	sshll.u32 s14, $0x7;
	[tilespmem:s13+$0x10] =	vst v0  }
0x54: {  	v0 =	vld [tilespmem:s14+$0xFFFC2080];
	_ =	sdelay $0x3  }
0x55: {  	s26 =	sadd.s32 $0x80, s13  }
0x56: {  	[tilespmem:s26+$0xFFFFFFE0] =	vst v0  }
0x57: {  	v0 =	vld [tilespmem:s14+$0xFFFC2090];
	_ =	sdelay $0x4  }
0x58: {  	[tilespmem:s26+$0xFFFFFFF0] =	vst v0  }
0x59: {  	v0 =	vld [tilespmem:s14+$0xFFFC20A0];
	_ =	sdelay $0x4  }
0x5a: {  	[tilespmem:s26+$0x0] =	vst v0  }
0x5b: {  	v0 =	vld [tilespmem:s14+$0xFFFC20B0];
	_ =	sdelay $0x4  }
0x5c: {  	[tilespmem:s26+$0x10] =	vst v0  }
0x5d: {  	[spmem:s7] =	stream.linear.scatter [tilespmem:s9], [sflag:$0x1], $0x8000, $0x38;
	[tilespmem:$0x10400] =	vst v63  }
0x5e: {  	_ =	swait.ge [sflag:s0], $0x8000  }
0x5f: {  	[sflag:s0] =	ssyncset.done $0x0  }
0x60: {  	s13 =	sshll.u32 @!p6 s4, $0x6;
	[sflag:s0] =	ssyncadd.s32 $0xFFFF8000  }
0x61: {  	s13 =	sor.u32 @!p6 $0x1C01, s13;
	s14 =	sshrl.u32 @!p6 s2, $0x3;
	[bflag:$0x0] =	sbarrier.arrive $0xFFFF  }
0x62: {  	[hbm:s1], [sflag:s13] =	dma.local @!p6 [spmem:s14], $0xFF80  }
0x63: {  	s13 =	simm.s32 @!p6 $0x1  }
0x64: {  	_ =	swait.ge @!p6 [sflag:s13], $0xFF80  }
0x65: {  	s15 =	simm.s32 @!p6 $0x2080;
	[sflag:s13] =	ssyncset.done @!p6 $0x0  }
.Ltmp3:
0x66: {  	s14 =	simm.s32 @!p6 $0x0;
	[sflag:s13] =	ssyncadd.s32 @!p6 $0xFFFF0080;
	(pc) =	sbr.rel @!p0 .LBB2_7-.Ltmp3, $4  }
0x67: {  	[hbm4b:s8+s14] =	stream.linear.scatter @!p6 [tilespmem:s15], [sflag:$0x1], $0x800, $0x38;
	[tilespmem:$0x10400] =	vst v63  }
0x68: {  	_ =	swait.ge @!p6 [sflag:s13], $0x800  }
0x69: {  	[sflag:s13] =	ssyncset.done @!p6 $0x0  }
0x6a: {  	[sflag:s13] =	ssyncadd.s32 @!p6 $0xFFFFF800  }
0x6b: {  	[hbm:s17], [sflag:s10] =	dma.local [spmem:s23], $0xFF80  }
0x6c: {  	_ =	swait.ge [sflag:s0], $0xFF80  }
0x6d: {  	[sflag:s0] =	ssyncset.done $0x0  }
0x6e: {  	s13 =	simm.s32 $0x1D00;
	[sflag:s0] =	ssyncadd.s32 $0xFFFF0080  }
0x6f: {  	[hbm4b:s18+s3] =	stream.linear.scatter [tilespmem:s13], [sflag:$0x1], $0x800, $0x38;
	[tilespmem:$0x10400] =	vst v63  }
0x70: {  	_ =	swait.ge [sflag:s0], $0x800  }
0x71: {  	[sflag:s0] =	ssyncset.done $0x0  }
0x72: {  	p4 =	por $0x0, $0x0;
	p2 =	por $0x0, $0x0;
	[sflag:s0] =	ssyncadd.s32 $0xFFFFF800  }
.LBB2_5:
0x73: {  	s13 =	sld [smem:$0x7FD];
	_ =	sdelay $0x2  }
0x74: {  	p1 =	seq.s32 s13, $0x1  }
.Ltmp4:
0x75: {  	_ = 	snop;
	(pc) =	sbr.rel @!p1 .LBB2_6-.Ltmp4, $1  }
0x76: {  	_ =	sdelay $0x3  }
.Ltmp5:
0x77: {  	(pc) =	sbr.rel .LBB2_14-.Ltmp5, $3  }
0x78: {  	_ =	sdelay $0x1  }
0x79: {  	[hbm:s19], [sflag:s10] =	dma.local [spmem:s24], $0xFF80  }
0x7a: {  	p3 =	por $0x1, $0x1;
	s13 =	simm.s32 $0x1F00;
	s14 =	smov.u32 s20  }
.LBB2_7:
0x7b: {  	s13 =	sld [smem:$0x7F9];
	_ =	sdelay $0x2  }
0x7c: {  	p1 =	seq.s32 s13, $0x1  }
.Ltmp6:
0x7d: {  	_ = 	snop;
	(pc) =	sbr.rel @!p1 .LBB2_9-.Ltmp6, $1  }
0x7e: {  	_ =	sdelay $0x3  }
0x7f: {  	s13 =	rddreg [dreg:$0xa]  }
0x80: {  	s14 =	simm.s32 $0x1C81;
	p4 =	por $0x1, $0x1;
	p2 =	por $0x0, $0x0  }
0x81: {  	[hbm:s13], [sflag:s14] =	dma.local [spmem:s25], $0xFF80  }
0x82: {  	p3 =	por p5, p5;
	s13 =	simm.s32 $0x1D80;
	s14 =	rddreg [dreg:$0xb]  }
.LBB2_14:
0x83: {  	_ =	swait.ge [sflag:s0], $0xFF80  }
0x84: {  	[sflag:s0] =	ssyncset.done $0x0  }
.Ltmp7:
0x85: {  	[sflag:s0] =	ssyncadd.s32 $0xFFFF0080;
	(pc) =	sbr.rel .LBB2_15-.Ltmp7, $4  }
0x86: {  	[hbm4b:s14+s3] =	stream.linear.scatter [tilespmem:s13], [sflag:$0x1], $0x800, $0x38;
	[tilespmem:$0x10400] =	vst v63  }
0x87: {  	_ =	swait.ge [sflag:s0], $0x800  }
0x88: {  	[sflag:s0] =	ssyncset.done $0x0  }
0x89: {  	[sflag:s0] =	ssyncadd.s32 $0xFFFFF800  }
.LBB2_6:
0x8a: {  	p3 =	por p5, p5  }
.LBB2_15:
0x8b: {  	p1 =	por !p4, !p3  }
.Ltmp8:
0x8c: {  	_ = 	snop;
	(pc) =	sbr.rel @p1 .LBB2_22-.Ltmp8, $2  }
0x8d: {  	_ =	sdelay $0x2  }
0x8e: {  	s13 =	simm.s32 $0x1F80  }
0x8f: {  	s14 =	smov.u32 s21  }
0x90: {  	s16 =	stileid.u32;
	s26 =	smov.u32 s11;
	s15 =	smov.u32 s28  }
.LBB2_17:
0x91: {  	s16 =	sshll.u32 s16, $0x6  }
0x92: {  	s26 =	sshrl.u32 s26, $0x3;
	s16 =	sor.u32 $0x1C01, s16  }
0x93: {  	[hbm:s14], [sflag:s16] =	dma.local [spmem:s26], $0xFF80  }
0x94: {  	_ =	swait.ge [sflag:s0], $0xFF80  }
0x95: {  	[sflag:s0] =	ssyncset.done $0x0  }
.Ltmp9:
0x96: {  	[sflag:s0] =	ssyncadd.s32 $0xFFFF0080;
	(pc) =	sbr.rel .LBB2_18-.Ltmp9, $4  }
0x97: {  	[hbm4b:s15+s3] =	stream.linear.scatter [tilespmem:s13], [sflag:$0x1], $0x800, $0x38;
	[tilespmem:$0x10400] =	vst v63  }
0x98: {  	_ =	swait.ge [sflag:s0], $0x800  }
0x99: {  	[sflag:s0] =	ssyncset.done $0x0  }
0x9a: {  	[sflag:s0] =	ssyncadd.s32 $0xFFFFF800  }
.LBB2_22:
0x9b: {  	p3 =	por @!p4 p3, p3;
	p2 =	por @!p4 p2, p2  }
.LBB2_18:
0x9c: {  	p1 =	por !p2, !p3  }
.Ltmp10:
0x9d: {  	_ = 	snop;
	(pc) =	sbr.rel @!p1 .LBB2_19-.Ltmp10, $4  }
.Ltmp11:
0x9e: {  	_ = 	snop;
	(pc) =	sbr.rel @p1 .LBB2_20-.Ltmp11, $4  }
0x9f: {  	_ = 	snop  }
0xa0: {  	s13 =	simm.s32 $0x2000;
	s14 =	smov.u32 s29  }
0xa1: {  	s16 =	stileid.u32;
	s26 =	smov.u32 s30;
	s15 =	smov.u32 s31  }
0xa2: {  	_ = 	snop  }
.LBB2_9:
0xa3: {  	s13 =	sld [smem:$0x7FB];
	_ =	sdelay $0x2  }
0xa4: {  	p1 =	seq.s32 s13, $0x1  }
.Ltmp12:
0xa5: {  	_ = 	snop;
	(pc) =	sbr.rel @!p1 .LBB2_11-.Ltmp12, $1  }
0xa6: {  	_ =	sdelay $0x3  }
.Ltmp13:
0xa7: {  	(pc) =	sbr.rel .LBB2_17-.Ltmp13, $4  }
0xa8: {  	_ = 	snop  }
0xa9: {  	s14 =	rddreg [dreg:$0x7]  }
0xaa: {  	p2 =	por $0x1, $0x1;
	s13 =	simm.s32 $0x1E00;
	s26 =	rddreg [dreg:$0x8]  }
0xab: {  	s16 =	simm.s32 $0x3;
	s15 =	rddreg [dreg:$0x9];
	p3 =	por p5, p5  }
.LBB2_11:
0xac: {  	s26 =	sld [smem:$0x7FC];
	_ =	sdelay $0x2  }
0xad: {  	p1 =	seq.s32 s26, $0x1  }
.Ltmp14:
0xae: {  	s13 =	sld [smem:$0x7F8];
	(pc) =	sbr.rel @!p1 .LBB2_5-.Ltmp14, $4  }
.Ltmp15:
0xaf: {  	s16 =	sld [smem:$0x7FA];
	(pc) =	sbr.rel @p1 .LBB2_12-.Ltmp15, $4  }
0xb0: {  	_ = 	snop  }
0xb1: {  	_ = 	snop  }
0xb2: {  	p4 =	seq.s32 s13, $0x1;
	p2 =	seq.s32 s16, $0x1  }
0xb3: {  	_ = 	snop  }
.LBB2_21:
0xb4: {  	_ =	sfence.sel $0x180000  }
0xb5: {  	[bflag:$0x0] =	sbarrier.arrive $0xFFFF  }
0xb6: {  	_ =	strace $0x90000047  }
0xb7: {  	[bflag:$0x2] =	sbarrier.arrive $0xFFFF  }
0xb8: {  	p0 =	sne.s32 s4, $0x0;
	s0 =	rddreg [dreg:$0x3]  }
0xb9: {  	s0 =	sadd.s32 @!p0 $0x100000, s0  }
0xba: {  	[sflag:s0] =	ssyncadd.tile.s32 @!p0 $0x1;
	_ =	shalt  }
.Lfunc_end2:
_tile_overlayer_lowered:
.L_overlay_start_2:
0xbb: {  	(tag) =	ssettag $0x2  }
0xbc: {  	s0 =	rddreg [dreg:$0x0];
	s2 =	stileid.u32  }
0xbd: {  	s1 =	rddreg [dreg:$0x1];
	p0 =	sne.s32 s2, $0x0  }
0xbe: {  	s3 =	rddreg [dreg:$0x2];
	[bflag:$0x3] =	sbarrier.arrive $0xFFFF;
	s2 =	simm.s32 @!p0 $0x1C01  }
0xbf: {  	[timem:s3], [sflag:s2] =	dma.local @!p0 [hbm:s0], s1  }
0xc0: {  	s0 =	simm.s32 @!p0 $0x1  }
0xc1: {  	_ =	swait.ge @!p0 [sflag:s0], s1  }
0xc2: {  	s1 =	ssub.s32 @!p0 $0x0, s1;
	[sflag:s0] =	ssyncset.done @!p0 $0x0  }
0xc3: {  	[sflag:s0] =	ssyncadd.s32 @!p0 s1  }
0xc4: {  	[bflag:$0x3] =	sbarrier.arrive $0xFFFF  }
0xc5: {  	_ =	shalt  }

</sc_bundles>
